<compile_context>
chip_gen: v7x
topology: tpu7x:2x2x1
jax: 0.10.2.dev20260603
libtpu: 0.0.44.dev20260713+nightly
codegen_flags: <defaults>
</compile_context>

<pallas_src>
import functools

import jax
import jax.numpy as jnp
import numpy as np
from jax import lax
from jax.experimental import pallas as pl
from jax.experimental.pallas import tpu as pltpu
from jax.experimental.pallas import tpu_sc as plsc

NP_ = 20000
NCLS = 91
KDET = 100
BATCH = 4
PAIRS = BATCH * KDET
PPAD = 512
NB = 2500

_MEANS = (123.675, 116.28, 103.53)
_STDS = (58.395, 57.12, 57.375)


def _feat_body(x_ref, f_ref):
    c = pl.program_id(1)
    s = jnp.sum(x_ref[0, 0]) * (1.0 / (512.0 * 512.0))
    m = jnp.where(c == 0, _MEANS[0], jnp.where(c == 1, _MEANS[1], _MEANS[2]))
    sd = jnp.where(c == 0, _STDS[0], jnp.where(c == 1, _STDS[1], _STDS[2]))
    f_ref[0, 0, 0, 0] = (s - m) / sd


def _feat(x):
    out = pl.pallas_call(
        _feat_body,
        grid=(BATCH, 3),
        in_specs=[pl.BlockSpec((1, 1, 512, 512), lambda b, c: (b, 2 - c, 0, 0))],
        out_specs=pl.BlockSpec((1, 1, 1, 1), lambda b, c: (b, c, 0, 0),
                               memory_space=pltpu.SMEM),
        out_shape=jax.ShapeDtypeStruct((BATCH, 3, 1, 1), jnp.float32),
    )(x)
    return out.reshape(BATCH, 3)


NR, NC2 = 160, 125
NBR = 16


def _scores_body(f_ref, w_ref, bl_ref, s_ref):
    l = lax.dot_general(f_ref[...], w_ref[...], (((1,), (0,)), ((), ())),
                        preferred_element_type=jnp.float32)
    l = l + bl_ref[...][None]
    m = jnp.max(l, axis=-1)
    s_ref[...] = 1.0 / (1.0 + jnp.exp(-m))


def _scores(feat, wl4, bl3):
    return pl.pallas_call(
        _scores_body,
        grid=(NR // NBR,),
        in_specs=[
            pl.BlockSpec(memory_space=None),
            pl.BlockSpec((3, NBR, NC2, NCLS), lambda i: (0, i, 0, 0)),
            pl.BlockSpec((NBR, NC2, NCLS), lambda i: (i, 0, 0)),
        ],
        out_specs=pl.BlockSpec((BATCH, NBR, NC2), lambda i: (0, i, 0)),
        out_shape=jax.ShapeDtypeStruct((BATCH, NR, NC2), jnp.float32),
    )(feat, wl4, bl3)


def _topk_body(s_ref, o_ref, sc_ref):
    sc_ref[...] = s_ref[...]
    i1 = lax.broadcasted_iota(jnp.int32, (BATCH, NR, NC2), 1)
    i2 = lax.broadcasted_iota(jnp.int32, (BATCH, NR, NC2), 2)
    nidx = i1 * NC2 + i2
    lane = lax.broadcasted_iota(jnp.int32, (BATCH, 128), 1)
    neg = jnp.float32(-3.0e38)

    def body(i, acc):
        s = sc_ref[...]
        m = jnp.max(s, axis=(1, 2))[:, None, None]
        idx = jnp.min(jnp.where(s >= m, nidx, jnp.int32(2 ** 30)),
                      axis=(1, 2))
        acc = jnp.where(lane == i, idx[:, None], acc)
        sc_ref[...] = jnp.where(nidx == idx[:, None, None], neg, s)
        return acc

    acc = lax.fori_loop(0, KDET, body, jnp.zeros((BATCH, 128), jnp.int32))
    o_ref[...] = acc[:, :KDET]


def _topk(scores):
    return pl.pallas_call(
        _topk_body,
        in_specs=[pl.BlockSpec(memory_space=pltpu.VMEM)],
        out_specs=pl.BlockSpec(memory_space=pltpu.VMEM),
        out_shape=jax.ShapeDtypeStruct((BATCH, KDET), jnp.int32),
        scratch_shapes=[pltpu.VMEM((BATCH, NR, NC2), jnp.float32)],
    )(scores)


_CCH = (0, 16, 32, 48, 64, 75)


def _gather_sc(idxf, w1, bl1, wb1p, bb1p):
    mesh = plsc.VectorSubcoreMesh(core_axis_name="c", subcore_axis_name="s")

    @functools.partial(
        pl.kernel,
        mesh=mesh,
        compiler_params=pltpu.CompilerParams(needs_layout_passes=False),
        out_type=[
            jax.ShapeDtypeStruct((3, PPAD, 128), jnp.float32),
            jax.ShapeDtypeStruct((PPAD, 128), jnp.float32),
            jax.ShapeDtypeStruct((3, PPAD, 128), jnp.float32),
            jax.ShapeDtypeStruct((PPAD, 128), jnp.float32),
        ],
        scratch_types=[
            pltpu.VMEM((16,), jnp.int32),
            pltpu.VMEM((16, 128), jnp.float32),
            pltpu.VMEM((16, 128), jnp.float32),
            pltpu.VMEM((16, 128), jnp.float32),
            pltpu.VMEM((16, 128), jnp.float32),
            pltpu.VMEM((16, 128), jnp.float32),
            pltpu.VMEM((16, 128), jnp.float32),
            pltpu.VMEM((16, 128), jnp.float32),
            pltpu.VMEM((16, 128), jnp.float32),
            pltpu.SemaphoreType.DMA,
        ],
    )
    def k(idx_hbm, w_hbm, bl_hbm, wb_hbm, bb_hbm,
          gw_hbm, gbl_hbm, gwb_hbm, gbb_hbm,
          idx_v, w0b, w1b, w2b, blb, x0b, x1b, x2b, bbb, sem):
        wid = lax.axis_index("s") * 2 + lax.axis_index("c")
        base = wid * 16
        pltpu.sync_copy(idx_hbm.at[pl.ds(base, 16)], idx_v)
        lanes = lax.iota(jnp.int32, 16)
        wbufs = (w0b, w1b, w2b)
        xbufs = (x0b, x1b, x2b)

        def per_pair(q, _):
            nq_vec = plsc.load_gather(idx_v, [jnp.full((16,), q, jnp.int32)])
            e91 = nq_vec * NCLS + lanes
            e4 = nq_vec * 4 + lanes
            cps = []
            for kk in range(3):
                for c0 in _CCH:
                    cps.append(pltpu.async_copy(
                        w_hbm.at[e91 + (kk * NP_ * NCLS + c0)],
                        wbufs[kk].at[q, pl.ds(c0, 16)], sem))
                cps.append(pltpu.async_copy(
                    wb_hbm.at[e4 + (kk * NP_ * 4)],
                    xbufs[kk].at[q, pl.ds(0, 16)], sem))
            for c0 in _CCH:
                cps.append(pltpu.async_copy(
                    bl_hbm.at[e91 + c0], blb.at[q, pl.ds(c0, 16)], sem))
            cps.append(pltpu.async_copy(bb_hbm.at[e4],
                                        bbb.at[q, pl.ds(0, 16)], sem))
            for cp in cps:
                cp.wait()
            return 0

        lax.fori_loop(0, 16, per_pair, 0)
        for kk in range(3):
            pltpu.sync_copy(wbufs[kk], gw_hbm.at[kk, pl.ds(base, 16)])
            pltpu.sync_copy(xbufs[kk], gwb_hbm.at[kk, pl.ds(base, 16)])
        pltpu.sync_copy(blb, gbl_hbm.at[pl.ds(base, 16)])
        pltpu.sync_copy(bbb, gbb_hbm.at[pl.ds(base, 16)])

    return k(idxf, w1, bl1, wb1p, bb1p)


def _combine_body(ff_ref, gw_ref, gbl_ref, gwb_ref, gbb_ref, bx_ref, pr_ref):
    ff = ff_ref[...]
    f0, f1, f2 = ff[:, 0:1], ff[:, 1:2], ff[:, 2:3]
    l = (f0 * gw_ref[0, :, :NCLS] + f1 * gw_ref[1, :, :NCLS]
         + f2 * gw_ref[2, :, :NCLS] + gbl_ref[:, :NCLS])
    pr_ref[...] = 1.0 / (1.0 + jnp.exp(-l))
    bx_ref[...] = (f0 * gwb_ref[0, :, :4] + f1 * gwb_ref[1, :, :4]
                   + f2 * gwb_ref[2, :, :4] + gbb_ref[:, :4])


def _combine(ff, gw, gbl, gwb, gbb):
    return pl.pallas_call(
        _combine_body,
        out_shape=[
            jax.ShapeDtypeStruct((PPAD, 4), jnp.float32),
            jax.ShapeDtypeStruct((PPAD, NCLS), jnp.float32),
        ],
    )(ff, gw, gbl, gwb, gbb)


_BIDX = np.minimum(np.arange(PPAD) // KDET, BATCH - 1)


def kernel(x, Wb, bb, Wl, bl):
    wl4 = Wl.reshape(3, NR, NC2, NCLS)
    bl3 = bl.reshape(NR, NC2, NCLS)

    feat = _feat(x)
    scores = _scores(feat, wl4, bl3)
    topi = _topk(scores)
    idxf = jnp.concatenate(
        [topi.reshape(-1), jnp.zeros((PPAD - PAIRS,), jnp.int32)])
    w1 = Wl.reshape(-1)
    wb1p = jnp.concatenate([Wb.reshape(-1), jnp.zeros((16,), jnp.float32)])
    bb1p = jnp.concatenate([bb, jnp.zeros((16,), jnp.float32)])
    gw, gbl, gwb, gbb = _gather_sc(idxf, w1, bl, wb1p, bb1p)
    ff = feat[_BIDX]
    boxes, probs = _combine(ff, gw, gbl, gwb, gbb)
    return (boxes[:PAIRS].reshape(BATCH, KDET, 4),
            probs[:PAIRS].reshape(BATCH, KDET, NCLS))

# --- scband reference (transcript-rebuilt; emitter-appended) ---
"""Pipeline reference for scband-deploy-model-57097295233430 (READ-ONLY COPY).

The authoritative reference and input builder live on the scoring server;
editing this copy changes nothing except your own understanding.
"""

import jax, jax.numpy as jnp
import numpy as np

N_PRED = 20000
NUM_CLASSES = 91
MAX_DET = 100


def setup_inputs(seed: int = 0):
    key = jax.random.key(seed)
    k1, k2, k3, k4, k5 = jax.random.split(key, 5)
    x = jax.random.uniform(k1, (4, 3, 512, 512), dtype=jnp.float32) * 255.0
    Wb = jax.random.normal(k2, (3, N_PRED * 4), dtype=jnp.float32) * 0.1
    bb = jax.random.normal(k3, (N_PRED * 4,), dtype=jnp.float32) * 0.1
    Wl = jax.random.normal(k4, (3, N_PRED * NUM_CLASSES), dtype=jnp.float32) * 0.1
    bl = jax.random.normal(k5, (N_PRED * NUM_CLASSES,), dtype=jnp.float32) * 0.1
    return {"x": x, "Wb": Wb, "bb": bb, "Wl": Wl, "bl": bl}


def reference(x, Wb, bb, Wl, bl):
    B = x.shape[0]
    mean = jnp.array([123.675, 116.28, 103.53], dtype=jnp.float32).reshape(1, 3, 1, 1)
    std = jnp.array([58.395, 57.12, 57.375], dtype=jnp.float32).reshape(1, 3, 1, 1)
    # BGR -> RGB channel swap
    xb = x[:, jnp.array([2, 1, 0]), :, :]
    xn = (xb - mean) / std
    # lightweight core model stand-in: global average pool + linear detection heads
    feat = xn.mean(axis=(2, 3))  # [B, 3]
    pred_boxes = (feat @ Wb + bb).reshape(B, N_PRED, 4)
    pred_logits = (feat @ Wl + bl).reshape(B, N_PRED, NUM_CLASSES)
    # post_process_script
    probs = jax.nn.sigmoid(pred_logits)
    scores = jnp.max(probs, axis=-1)  # [B, N]
    topk_values, topk_indices = jax.lax.top_k(scores, MAX_DET)  # [B, K]
    new_boxes = jnp.take_along_axis(pred_boxes, topk_indices[:, :, None], axis=1)
    new_probs = jnp.take_along_axis(probs, topk_indices[:, :, None], axis=1)
    new_boxes = new_boxes.reshape(-1, MAX_DET, 4)
    new_probs = new_probs.reshape(-1, MAX_DET, NUM_CLASSES)
    return (new_boxes, new_probs)

if __name__ == "__main__":
    import jax
    _d = setup_inputs()
    print(jax.jit(kernel)(*tuple(_d.values())))

</pallas_src>

<mosaic_0001>
#map = affine_map<(d0, d1) -> (0)>
#map1 = affine_map<(d0, d1) -> (0, 0, 0)>
#map2 = affine_map<(d0, d1) -> (0, 0)>
module attributes {stable_mosaic.version = 14 : i64} {
  func.func @k(%arg0: i32, %arg1: i32, %arg2: memref<512xi32, #tpu.memory_space<hbm>>, %arg3: memref<5460000xf32, #tpu.memory_space<hbm>>, %arg4: memref<1820000xf32, #tpu.memory_space<hbm>>, %arg5: memref<240016xf32, #tpu.memory_space<hbm>>, %arg6: memref<80016xf32, #tpu.memory_space<hbm>>, %arg7: memref<3x512x128xf32, #tpu.memory_space<hbm>>, %arg8: memref<512x128xf32, #tpu.memory_space<hbm>>, %arg9: memref<3x512x128xf32, #tpu.memory_space<hbm>>, %arg10: memref<512x128xf32, #tpu.memory_space<hbm>>, %arg11: memref<16xi32, #tpu.memory_space<vmem>>, %arg12: memref<16x128xf32, #tpu.memory_space<vmem>>, %arg13: memref<16x128xf32, #tpu.memory_space<vmem>>, %arg14: memref<16x128xf32, #tpu.memory_space<vmem>>, %arg15: memref<16x128xf32, #tpu.memory_space<vmem>>, %arg16: memref<16x128xf32, #tpu.memory_space<vmem>>, %arg17: memref<16x128xf32, #tpu.memory_space<vmem>>, %arg18: memref<16x128xf32, #tpu.memory_space<vmem>>, %arg19: memref<16x128xf32, #tpu.memory_space<vmem>>, %arg20: memref<!tpu.dma_semaphore, #tpu.memory_space<semaphore_mem>>) attributes {dimension_semantics = [#tpu.dimension_semantics<core_parallel>, #tpu.dimension_semantics<subcore_parallel>], iteration_bounds = array<i64: 2, 16>, scalar_prefetch = 0 : i64, scratch_operands = 10 : i64, tpu.core_type = #tpu.core_type<sc_vector_subcore>, window_params = [{transform_indices = #map}, {transform_indices = #map}, {transform_indices = #map}, {transform_indices = #map}, {transform_indices = #map}, {transform_indices = #map1}, {transform_indices = #map2}, {transform_indices = #map1}, {transform_indices = #map2}]} {
    %mul3A = arith.constant 2 : i32
    %mul3A_0 = arith.muli %arg1, %mul3A : i32
    %add3A = arith.addi %mul3A_0, %arg0 : i32
    %mul3A_1 = arith.constant 16 : i32
    %mul3A_2 = arith.muli %add3A, %mul3A_1 : i32
    "tpu.region"() ({
      %run_scoped3A_14 = tpu.sem_alloc : memref<!tpu.dma_semaphore, #tpu.memory_space<semaphore_mem>>
      %dma_start3A = tpu.memref_slice %arg2[%mul3A_2] : memref<512xi32, #tpu.memory_space<hbm>> -> memref<16xi32, #tpu.memory_space<hbm>>
      %dma_start3A_15 = tpu.memref_slice %arg2[%mul3A_2] : memref<512xi32, #tpu.memory_space<hbm>> -> memref<16xi32, #tpu.memory_space<hbm>>
      tpu.enqueue_dma source(%dma_start3A_15 : memref<16xi32, #tpu.memory_space<hbm>>) target(%arg11 : memref<16xi32, #tpu.memory_space<vmem>>) target_semaphore(%run_scoped3A_14 : memref<!tpu.dma_semaphore, #tpu.memory_space<semaphore_mem>>)
      %dma_wait3A = tpu.memref_slice %arg2[%mul3A_2] : memref<512xi32, #tpu.memory_space<hbm>> -> memref<16xi32, #tpu.memory_space<hbm>>
      %dma_wait3A_16 = tpu.memref_slice %arg2[%mul3A_2] : memref<512xi32, #tpu.memory_space<hbm>> -> memref<16xi32, #tpu.memory_space<hbm>>
      tpu.wait_dma2 semaphore(%run_scoped3A_14 : memref<!tpu.dma_semaphore, #tpu.memory_space<semaphore_mem>>) src(%dma_wait3A_16 : memref<16xi32, #tpu.memory_space<hbm>>) dst(%arg11 : memref<16xi32, #tpu.memory_space<vmem>>)
      tpu.yield
    }) : () -> ()
    %iota3A = tpu.iota {dimensions = array<i32: 0>} : vector<16xi32>
    %scan3A = arith.constant 0 : i32
    %scan3A_3 = arith.constant 0 : i32
    %scan3A_4 = arith.constant 16 : i32
    %scan3A_5 = arith.addi %scan3A_3, %scan3A_4 : i32
    %scan3A_6 = arith.constant 1 : i32
    %scan3A_7 = scf.for %scan3A_14 = %scan3A_3 to %scan3A_5 step %scan3A_6 iter_args(%scan3A_15 = %scan3A) -> (i32)  : i32 {
      %broadcast_in_dim3A = vector.broadcast %scan3A_14 : i32 to vector<16xi32>
      %gather3A = tpu.vector_load_idx %arg11[%broadcast_in_dim3A] : memref<16xi32, #tpu.memory_space<vmem>>[vector<16xi32>], vector<16xi32>,
      %mul3A_16 = arith.constant 91 : i32
      %mul3A_17 = vector.broadcast %mul3A_16 : i32 to vector<16xi32>
      %mul3A_18 = arith.muli %gather3A, %mul3A_17 : vector<16xi32>
      %add3A_19 = arith.addi %mul3A_18, %iota3A : vector<16xi32>
      %mul3A_20 = arith.constant 4 : i32
      %mul3A_21 = vector.broadcast %mul3A_20 : i32 to vector<16xi32>
      %mul3A_22 = arith.muli %gather3A, %mul3A_21 : vector<16xi32>
      %add3A_23 = arith.addi %mul3A_22, %iota3A : vector<16xi32>
      %add3A_24 = arith.constant 0 : i32
      %add3A_25 = vector.broadcast %add3A_24 : i32 to vector<16xi32>
      %add3A_26 = arith.addi %add3A_19, %add3A_25 : vector<16xi32>
      %dma_start3A = arith.constant 0 : i32
      %dma_start3A_27 = tpu.memref_slice %arg12[%scan3A_14, %dma_start3A] : memref<16x128xf32, #tpu.memory_space<vmem>> -> memref<1x16xf32, #tpu.memory_space<vmem>>
      %dma_start3A_28 = tpu.memref_squeeze %dma_start3A_27 : memref<1x16xf32, #tpu.memory_space<vmem>> -> memref<16xf32, #tpu.memory_space<vmem>>
      %dma_start3A_29 = arith.constant 0 : i32
      %dma_start3A_30 = tpu.memref_slice %arg3[%dma_start3A_29] : memref<5460000xf32, #tpu.memory_space<hbm>> -> memref<5460000xf32, #tpu.memory_space<hbm>>
      tpu.enqueue_indirect_dma source(%dma_start3A_30 : memref<5460000xf32, #tpu.memory_space<hbm>>) target(%dma_start3A_28 : memref<16xf32, #tpu.memory_space<vmem>>) offsets(%add3A_26 : vector<16xi32>) semaphore(%arg20 : memref<!tpu.dma_semaphore, #tpu.memory_space<semaphore_mem>>)
      %add3A_31 = arith.constant 16 : i32
      %add3A_32 = vector.broadcast %add3A_31 : i32 to vector<16xi32>
      %add3A_33 = arith.addi %add3A_19, %add3A_32 : vector<16xi32>
      %dma_start3A_34 = arith.constant 16 : i32
      %dma_start3A_35 = tpu.memref_slice %arg12[%scan3A_14, %dma_start3A_34] : memref<16x128xf32, #tpu.memory_space<vmem>> -> memref<1x16xf32, #tpu.memory_space<vmem>>
      %dma_start3A_36 = tpu.memref_squeeze %dma_start3A_35 : memref<1x16xf32, #tpu.memory_space<vmem>> -> memref<16xf32, #tpu.memory_space<vmem>>
      %dma_start3A_37 = arith.constant 0 : i32
      %dma_start3A_38 = tpu.memref_slice %arg3[%dma_start3A_37] : memref<5460000xf32, #tpu.memory_space<hbm>> -> memref<5460000xf32, #tpu.memory_space<hbm>>
      tpu.enqueue_indirect_dma source(%dma_start3A_38 : memref<5460000xf32, #tpu.memory_space<hbm>>) target(%dma_start3A_36 : memref<16xf32, #tpu.memory_space<vmem>>) offsets(%add3A_33 : vector<16xi32>) semaphore(%arg20 : memref<!tpu.dma_semaphore, #tpu.memory_space<semaphore_mem>>)
      %add3A_39 = arith.constant 32 : i32
      %add3A_40 = vector.broadcast %add3A_39 : i32 to vector<16xi32>
      %add3A_41 = arith.addi %add3A_19, %add3A_40 : vector<16xi32>
      %dma_start3A_42 = arith.constant 32 : i32
      %dma_start3A_43 = tpu.memref_slice %arg12[%scan3A_14, %dma_start3A_42] : memref<16x128xf32, #tpu.memory_space<vmem>> -> memref<1x16xf32, #tpu.memory_space<vmem>>
      %dma_start3A_44 = tpu.memref_squeeze %dma_start3A_43 : memref<1x16xf32, #tpu.memory_space<vmem>> -> memref<16xf32, #tpu.memory_space<vmem>>
      %dma_start3A_45 = arith.constant 0 : i32
      %dma_start3A_46 = tpu.memref_slice %arg3[%dma_start3A_45] : memref<5460000xf32, #tpu.memory_space<hbm>> -> memref<5460000xf32, #tpu.memory_space<hbm>>
      tpu.enqueue_indirect_dma source(%dma_start3A_46 : memref<5460000xf32, #tpu.memory_space<hbm>>) target(%dma_start3A_44 : memref<16xf32, #tpu.memory_space<vmem>>) offsets(%add3A_41 : vector<16xi32>) semaphore(%arg20 : memref<!tpu.dma_semaphore, #tpu.memory_space<semaphore_mem>>)
      %add3A_47 = arith.constant 48 : i32
      %add3A_48 = vector.broadcast %add3A_47 : i32 to vector<16xi32>
      %add3A_49 = arith.addi %add3A_19, %add3A_48 : vector<16xi32>
      %dma_start3A_50 = arith.constant 48 : i32
      %dma_start3A_51 = tpu.memref_slice %arg12[%scan3A_14, %dma_start3A_50] : memref<16x128xf32, #tpu.memory_space<vmem>> -> memref<1x16xf32, #tpu.memory_space<vmem>>
      %dma_start3A_52 = tpu.memref_squeeze %dma_start3A_51 : memref<1x16xf32, #tpu.memory_space<vmem>> -> memref<16xf32, #tpu.memory_space<vmem>>
      %dma_start3A_53 = arith.constant 0 : i32
      %dma_start3A_54 = tpu.memref_slice %arg3[%dma_start3A_53] : memref<5460000xf32, #tpu.memory_space<hbm>> -> memref<5460000xf32, #tpu.memory_space<hbm>>
      tpu.enqueue_indirect_dma source(%dma_start3A_54 : memref<5460000xf32, #tpu.memory_space<hbm>>) target(%dma_start3A_52 : memref<16xf32, #tpu.memory_space<vmem>>) offsets(%add3A_49 : vector<16xi32>) semaphore(%arg20 : memref<!tpu.dma_semaphore, #tpu.memory_space<semaphore_mem>>)
      %add3A_55 = arith.constant 64 : i32
      %add3A_56 = vector.broadcast %add3A_55 : i32 to vector<16xi32>
      %add3A_57 = arith.addi %add3A_19, %add3A_56 : vector<16xi32>
      %dma_start3A_58 = arith.constant 64 : i32
      %dma_start3A_59 = tpu.memref_slice %arg12[%scan3A_14, %dma_start3A_58] : memref<16x128xf32, #tpu.memory_space<vmem>> -> memref<1x16xf32, #tpu.memory_space<vmem>>
      %dma_start3A_60 = tpu.memref_squeeze %dma_start3A_59 : memref<1x16xf32, #tpu.memory_space<vmem>> -> memref<16xf32, #tpu.memory_space<vmem>>
      %dma_start3A_61 = arith.constant 0 : i32
      %dma_start3A_62 = tpu.memref_slice %arg3[%dma_start3A_61] : memref<5460000xf32, #tpu.memory_space<hbm>> -> memref<5460000xf32, #tpu.memory_space<hbm>>
      tpu.enqueue_indirect_dma source(%dma_start3A_62 : memref<5460000xf32, #tpu.memory_space<hbm>>) target(%dma_start3A_60 : memref<16xf32, #tpu.memory_space<vmem>>) offsets(%add3A_57 : vector<16xi32>) semaphore(%arg20 : memref<!tpu.dma_semaphore, #tpu.memory_space<semaphore_mem>>)
      %add3A_63 = arith.constant 75 : i32
      %add3A_64 = vector.broadcast %add3A_63 : i32 to vector<16xi32>
      %add3A_65 = arith.addi %add3A_19, %add3A_64 : vector<16xi32>
      %dma_start3A_66 = arith.constant 75 : i32
      %dma_start3A_67 = tpu.memref_slice %arg12[%scan3A_14, %dma_start3A_66] : memref<16x128xf32, #tpu.memory_space<vmem>> -> memref<1x16xf32, #tpu.memory_space<vmem>>
      %dma_start3A_68 = tpu.memref_squeeze %dma_start3A_67 : memref<1x16xf32, #tpu.memory_space<vmem>> -> memref<16xf32, #tpu.memory_space<vmem>>
      %dma_start3A_69 = arith.constant 0 : i32
      %dma_start3A_70 = tpu.memref_slice %arg3[%dma_start3A_69] : memref<5460000xf32, #tpu.memory_space<hbm>> -> memref<5460000xf32, #tpu.memory_space<hbm>>
      tpu.enqueue_indirect_dma source(%dma_start3A_70 : memref<5460000xf32, #tpu.memory_space<hbm>>) target(%dma_start3A_68 : memref<16xf32, #tpu.memory_space<vmem>>) offsets(%add3A_65 : vector<16xi32>) semaphore(%arg20 : memref<!tpu.dma_semaphore, #tpu.memory_space<semaphore_mem>>)
      %add3A_71 = arith.constant 0 : i32
      %add3A_72 = vector.broadcast %add3A_71 : i32 to vector<16xi32>
      %add3A_73 = arith.addi %add3A_23, %add3A_72 : vector<16xi32>
      %dma_start3A_74 = arith.constant 0 : i32
      %dma_start3A_75 = tpu.memref_slice %arg16[%scan3A_14, %dma_start3A_74] : memref<16x128xf32, #tpu.memory_space<vmem>> -> memref<1x16xf32, #tpu.memory_space<vmem>>
      %dma_start3A_76 = tpu.memref_squeeze %dma_start3A_75 : memref<1x16xf32, #tpu.memory_space<vmem>> -> memref<16xf32, #tpu.memory_space<vmem>>
      %dma_start3A_77 = arith.constant 0 : i32
      %dma_start3A_78 = tpu.memref_slice %arg5[%dma_start3A_77] : memref<240016xf32, #tpu.memory_space<hbm>> -> memref<240016xf32, #tpu.memory_space<hbm>>
      tpu.enqueue_indirect_dma source(%dma_start3A_78 : memref<240016xf32, #tpu.memory_space<hbm>>) target(%dma_start3A_76 : memref<16xf32, #tpu.memory_space<vmem>>) offsets(%add3A_73 : vector<16xi32>) semaphore(%arg20 : memref<!tpu.dma_semaphore, #tpu.memory_space<semaphore_mem>>)
      %add3A_79 = arith.constant 1820000 : i32
      %add3A_80 = vector.broadcast %add3A_79 : i32 to vector<16xi32>
      %add3A_81 = arith.addi %add3A_19, %add3A_80 : vector<16xi32>
      %dma_start3A_82 = arith.constant 0 : i32
      %dma_start3A_83 = tpu.memref_slice %arg13[%scan3A_14, %dma_start3A_82] : memref<16x128xf32, #tpu.memory_space<vmem>> -> memref<1x16xf32, #tpu.memory_space<vmem>>
      %dma_start3A_84 = tpu.memref_squeeze %dma_start3A_83 : memref<1x16xf32, #tpu.memory_space<vmem>> -> memref<16xf32, #tpu.memory_space<vmem>>
      %dma_start3A_85 = arith.constant 0 : i32
      %dma_start3A_86 = tpu.memref_slice %arg3[%dma_start3A_85] : memref<5460000xf32, #tpu.memory_space<hbm>> -> memref<5460000xf32, #tpu.memory_space<hbm>>
      tpu.enqueue_indirect_dma source(%dma_start3A_86 : memref<5460000xf32, #tpu.memory_space<hbm>>) target(%dma_start3A_84 : memref<16xf32, #tpu.memory_space<vmem>>) offsets(%add3A_81 : vector<16xi32>) semaphore(%arg20 : memref<!tpu.dma_semaphore, #tpu.memory_space<semaphore_mem>>)
      %add3A_87 = arith.constant 1820016 : i32
      %add3A_88 = vector.broadcast %add3A_87 : i32 to vector<16xi32>
      %add3A_89 = arith.addi %add3A_19, %add3A_88 : vector<16xi32>
      %dma_start3A_90 = arith.constant 16 : i32
      %dma_start3A_91 = tpu.memref_slice %arg13[%scan3A_14, %dma_start3A_90] : memref<16x128xf32, #tpu.memory_space<vmem>> -> memref<1x16xf32, #tpu.memory_space<vmem>>
      %dma_start3A_92 = tpu.memref_squeeze %dma_start3A_91 : memref<1x16xf32, #tpu.memory_space<vmem>> -> memref<16xf32, #tpu.memory_space<vmem>>
      %dma_start3A_93 = arith.constant 0 : i32
      %dma_start3A_94 = tpu.memref_slice %arg3[%dma_start3A_93] : memref<5460000xf32, #tpu.memory_space<hbm>> -> memref<5460000xf32, #tpu.memory_space<hbm>>
      tpu.enqueue_indirect_dma source(%dma_start3A_94 : memref<5460000xf32, #tpu.memory_space<hbm>>) target(%dma_start3A_92 : memref<16xf32, #tpu.memory_space<vmem>>) offsets(%add3A_89 : vector<16xi32>) semaphore(%arg20 : memref<!tpu.dma_semaphore, #tpu.memory_space<semaphore_mem>>)
      %add3A_95 = arith.constant 1820032 : i32
      %add3A_96 = vector.broadcast %add3A_95 : i32 to vector<16xi32>
      %add3A_97 = arith.addi %add3A_19, %add3A_96 : vector<16xi32>
      %dma_start3A_98 = arith.constant 32 : i32
      %dma_start3A_99 = tpu.memref_slice %arg13[%scan3A_14, %dma_start3A_98] : memref<16x128xf32, #tpu.memory_space<vmem>> -> memref<1x16xf32, #tpu.memory_space<vmem>>
      %dma_start3A_100 = tpu.memref_squeeze %dma_start3A_99 : memref<1x16xf32, #tpu.memory_space<vmem>> -> memref<16xf32, #tpu.memory_space<vmem>>
      %dma_start3A_101 = arith.constant 0 : i32
      %dma_start3A_102 = tpu.memref_slice %arg3[%dma_start3A_101] : memref<5460000xf32, #tpu.memory_space<hbm>> -> memref<5460000xf32, #tpu.memory_space<hbm>>
      tpu.enqueue_indirect_dma source(%dma_start3A_102 : memref<5460000xf32, #tpu.memory_space<hbm>>) target(%dma_start3A_100 : memref<16xf32, #tpu.memory_space<vmem>>) offsets(%add3A_97 : vector<16xi32>) semaphore(%arg20 : memref<!tpu.dma_semaphore, #tpu.memory_space<semaphore_mem>>)
      %add3A_103 = arith.constant 1820048 : i32
      %add3A_104 = vector.broadcast %add3A_103 : i32 to vector<16xi32>
      %add3A_105 = arith.addi %add3A_19, %add3A_104 : vector<16xi32>
      %dma_start3A_106 = arith.constant 48 : i32
      %dma_start3A_107 = tpu.memref_slice %arg13[%scan3A_14, %dma_start3A_106] : memref<16x128xf32, #tpu.memory_space<vmem>> -> memref<1x16xf32, #tpu.memory_space<vmem>>
      %dma_start3A_108 = tpu.memref_squeeze %dma_start3A_107 : memref<1x16xf32, #tpu.memory_space<vmem>> -> memref<16xf32, #tpu.memory_space<vmem>>
      %dma_start3A_109 = arith.constant 0 : i32
      %dma_start3A_110 = tpu.memref_slice %arg3[%dma_start3A_109] : memref<5460000xf32, #tpu.memory_space<hbm>> -> memref<5460000xf32, #tpu.memory_space<hbm>>
      tpu.enqueue_indirect_dma source(%dma_start3A_110 : memref<5460000xf32, #tpu.memory_space<hbm>>) target(%dma_start3A_108 : memref<16xf32, #tpu.memory_space<vmem>>) offsets(%add3A_105 : vector<16xi32>) semaphore(%arg20 : memref<!tpu.dma_semaphore, #tpu.memory_space<semaphore_mem>>)
      %add3A_111 = arith.constant 1820064 : i32
      %add3A_112 = vector.broadcast %add3A_111 : i32 to vector<16xi32>
      %add3A_113 = arith.addi %add3A_19, %add3A_112 : vector<16xi32>
      %dma_start3A_114 = arith.constant 64 : i32
      %dma_start3A_115 = tpu.memref_slice %arg13[%scan3A_14, %dma_start3A_114] : memref<16x128xf32, #tpu.memory_space<vmem>> -> memref<1x16xf32, #tpu.memory_space<vmem>>
      %dma_start3A_116 = tpu.memref_squeeze %dma_start3A_115 : memref<1x16xf32, #tpu.memory_space<vmem>> -> memref<16xf32, #tpu.memory_space<vmem>>
      %dma_start3A_117 = arith.constant 0 : i32
      %dma_start3A_118 = tpu.memref_slice %arg3[%dma_start3A_117] : memref<5460000xf32, #tpu.memory_space<hbm>> -> memref<5460000xf32, #tpu.memory_space<hbm>>
      tpu.enqueue_indirect_dma source(%dma_start3A_118 : memref<5460000xf32, #tpu.memory_space<hbm>>) target(%dma_start3A_116 : memref<16xf32, #tpu.memory_space<vmem>>) offsets(%add3A_113 : vector<16xi32>) semaphore(%arg20 : memref<!tpu.dma_semaphore, #tpu.memory_space<semaphore_mem>>)
      %add3A_119 = arith.constant 1820075 : i32
      %add3A_120 = vector.broadcast %add3A_119 : i32 to vector<16xi32>
      %add3A_121 = arith.addi %add3A_19, %add3A_120 : vector<16xi32>
      %dma_start3A_122 = arith.constant 75 : i32
      %dma_start3A_123 = tpu.memref_slice %arg13[%scan3A_14, %dma_start3A_122] : memref<16x128xf32, #tpu.memory_space<vmem>> -> memref<1x16xf32, #tpu.memory_space<vmem>>
      %dma_start3A_124 = tpu.memref_squeeze %dma_start3A_123 : memref<1x16xf32, #tpu.memory_space<vmem>> -> memref<16xf32, #tpu.memory_space<vmem>>
      %dma_start3A_125 = arith.constant 0 : i32
      %dma_start3A_126 = tpu.memref_slice %arg3[%dma_start3A_125] : memref<5460000xf32, #tpu.memory_space<hbm>> -> memref<5460000xf32, #tpu.memory_space<hbm>>
      tpu.enqueue_indirect_dma source(%dma_start3A_126 : memref<5460000xf32, #tpu.memory_space<hbm>>) target(%dma_start3A_124 : memref<16xf32, #tpu.memory_space<vmem>>) offsets(%add3A_121 : vector<16xi32>) semaphore(%arg20 : memref<!tpu.dma_semaphore, #tpu.memory_space<semaphore_mem>>)
      %add3A_127 = arith.constant 80000 : i32
      %add3A_128 = vector.broadcast %add3A_127 : i32 to vector<16xi32>
      %add3A_129 = arith.addi %add3A_23, %add3A_128 : vector<16xi32>
      %dma_start3A_130 = arith.constant 0 : i32
      %dma_start3A_131 = tpu.memref_slice %arg17[%scan3A_14, %dma_start3A_130] : memref<16x128xf32, #tpu.memory_space<vmem>> -> memref<1x16xf32, #tpu.memory_space<vmem>>
      %dma_start3A_132 = tpu.memref_squeeze %dma_start3A_131 : memref<1x16xf32, #tpu.memory_space<vmem>> -> memref<16xf32, #tpu.memory_space<vmem>>
      %dma_start3A_133 = arith.constant 0 : i32
      %dma_start3A_134 = tpu.memref_slice %arg5[%dma_start3A_133] : memref<240016xf32, #tpu.memory_space<hbm>> -> memref<240016xf32, #tpu.memory_space<hbm>>
      tpu.enqueue_indirect_dma source(%dma_start3A_134 : memref<240016xf32, #tpu.memory_space<hbm>>) target(%dma_start3A_132 : memref<16xf32, #tpu.memory_space<vmem>>) offsets(%add3A_129 : vector<16xi32>) semaphore(%arg20 : memref<!tpu.dma_semaphore, #tpu.memory_space<semaphore_mem>>)
      %add3A_135 = arith.constant 3640000 : i32
      %add3A_136 = vector.broadcast %add3A_135 : i32 to vector<16xi32>
      %add3A_137 = arith.addi %add3A_19, %add3A_136 : vector<16xi32>
      %dma_start3A_138 = arith.constant 0 : i32
      %dma_start3A_139 = tpu.memref_slice %arg14[%scan3A_14, %dma_start3A_138] : memref<16x128xf32, #tpu.memory_space<vmem>> -> memref<1x16xf32, #tpu.memory_space<vmem>>
      %dma_start3A_140 = tpu.memref_squeeze %dma_start3A_139 : memref<1x16xf32, #tpu.memory_space<vmem>> -> memref<16xf32, #tpu.memory_space<vmem>>
      %dma_start3A_141 = arith.constant 0 : i32
      %dma_start3A_142 = tpu.memref_slice %arg3[%dma_start3A_141] : memref<5460000xf32, #tpu.memory_space<hbm>> -> memref<5460000xf32, #tpu.memory_space<hbm>>
      tpu.enqueue_indirect_dma source(%dma_start3A_142 : memref<5460000xf32, #tpu.memory_space<hbm>>) target(%dma_start3A_140 : memref<16xf32, #tpu.memory_space<vmem>>) offsets(%add3A_137 : vector<16xi32>) semaphore(%arg20 : memref<!tpu.dma_semaphore, #tpu.memory_space<semaphore_mem>>)
      %add3A_143 = arith.constant 3640016 : i32
      %add3A_144 = vector.broadcast %add3A_143 : i32 to vector<16xi32>
      %add3A_145 = arith.addi %add3A_19, %add3A_144 : vector<16xi32>
      %dma_start3A_146 = arith.constant 16 : i32
      %dma_start3A_147 = tpu.memref_slice %arg14[%scan3A_14, %dma_start3A_146] : memref<16x128xf32, #tpu.memory_space<vmem>> -> memref<1x16xf32, #tpu.memory_space<vmem>>
      %dma_start3A_148 = tpu.memref_squeeze %dma_start3A_147 : memref<1x16xf32, #tpu.memory_space<vmem>> -> memref<16xf32, #tpu.memory_space<vmem>>
      %dma_start3A_149 = arith.constant 0 : i32
      %dma_start3A_150 = tpu.memref_slice %arg3[%dma_start3A_149] : memref<5460000xf32, #tpu.memory_space<hbm>> -> memref<5460000xf32, #tpu.memory_space<hbm>>
      tpu.enqueue_indirect_dma source(%dma_start3A_150 : memref<5460000xf32, #tpu.memory_space<hbm>>) target(%dma_start3A_148 : memref<16xf32, #tpu.memory_space<vmem>>) offsets(%add3A_145 : vector<16xi32>) semaphore(%arg20 : memref<!tpu.dma_semaphore, #tpu.memory_space<semaphore_mem>>)
      %add3A_151 = arith.constant 3640032 : i32
      %add3A_152 = vector.broadcast %add3A_151 : i32 to vector<16xi32>
      %add3A_153 = arith.addi %add3A_19, %add3A_152 : vector<16xi32>
      %dma_start3A_154 = arith.constant 32 : i32
      %dma_start3A_155 = tpu.memref_slice %arg14[%scan3A_14, %dma_start3A_154] : memref<16x128xf32, #tpu.memory_space<vmem>> -> memref<1x16xf32, #tpu.memory_space<vmem>>
      %dma_start3A_156 = tpu.memref_squeeze %dma_start3A_155 : memref<1x16xf32, #tpu.memory_space<vmem>> -> memref<16xf32, #tpu.memory_space<vmem>>
      %dma_start3A_157 = arith.constant 0 : i32
      %dma_start3A_158 = tpu.memref_slice %arg3[%dma_start3A_157] : memref<5460000xf32, #tpu.memory_space<hbm>> -> memref<5460000xf32, #tpu.memory_space<hbm>>
      tpu.enqueue_indirect_dma source(%dma_start3A_158 : memref<5460000xf32, #tpu.memory_space<hbm>>) target(%dma_start3A_156 : memref<16xf32, #tpu.memory_space<vmem>>) offsets(%add3A_153 : vector<16xi32>) semaphore(%arg20 : memref<!tpu.dma_semaphore, #tpu.memory_space<semaphore_mem>>)
      %add3A_159 = arith.constant 3640048 : i32
      %add3A_160 = vector.broadcast %add3A_159 : i32 to vector<16xi32>
      %add3A_161 = arith.addi %add3A_19, %add3A_160 : vector<16xi32>
      %dma_start3A_162 = arith.constant 48 : i32
      %dma_start3A_163 = tpu.memref_slice %arg14[%scan3A_14, %dma_start3A_162] : memref<16x128xf32, #tpu.memory_space<vmem>> -> memref<1x16xf32, #tpu.memory_space<vmem>>
      %dma_start3A_164 = tpu.memref_squeeze %dma_start3A_163 : memref<1x16xf32, #tpu.memory_space<vmem>> -> memref<16xf32, #tpu.memory_space<vmem>>
      %dma_start3A_165 = arith.constant 0 : i32
      %dma_start3A_166 = tpu.memref_slice %arg3[%dma_start3A_165] : memref<5460000xf32, #tpu.memory_space<hbm>> -> memref<5460000xf32, #tpu.memory_space<hbm>>
      tpu.enqueue_indirect_dma source(%dma_start3A_166 : memref<5460000xf32, #tpu.memory_space<hbm>>) target(%dma_start3A_164 : memref<16xf32, #tpu.memory_space<vmem>>) offsets(%add3A_161 : vector<16xi32>) semaphore(%arg20 : memref<!tpu.dma_semaphore, #tpu.memory_space<semaphore_mem>>)
      %add3A_167 = arith.constant 3640064 : i32
      %add3A_168 = vector.broadcast %add3A_167 : i32 to vector<16xi32>
      %add3A_169 = arith.addi %add3A_19, %add3A_168 : vector<16xi32>
      %dma_start3A_170 = arith.constant 64 : i32
      %dma_start3A_171 = tpu.memref_slice %arg14[%scan3A_14, %dma_start3A_170] : memref<16x128xf32, #tpu.memory_space<vmem>> -> memref<1x16xf32, #tpu.memory_space<vmem>>
      %dma_start3A_172 = tpu.memref_squeeze %dma_start3A_171 : memref<1x16xf32, #tpu.memory_space<vmem>> -> memref<16xf32, #tpu.memory_space<vmem>>
      %dma_start3A_173 = arith.constant 0 : i32
      %dma_start3A_174 = tpu.memref_slice %arg3[%dma_start3A_173] : memref<5460000xf32, #tpu.memory_space<hbm>> -> memref<5460000xf32, #tpu.memory_space<hbm>>
      tpu.enqueue_indirect_dma source(%dma_start3A_174 : memref<5460000xf32, #tpu.memory_space<hbm>>) target(%dma_start3A_172 : memref<16xf32, #tpu.memory_space<vmem>>) offsets(%add3A_169 : vector<16xi32>) semaphore(%arg20 : memref<!tpu.dma_semaphore, #tpu.memory_space<semaphore_mem>>)
      %add3A_175 = arith.constant 3640075 : i32
      %add3A_176 = vector.broadcast %add3A_175 : i32 to vector<16xi32>
      %add3A_177 = arith.addi %add3A_19, %add3A_176 : vector<16xi32>
      %dma_start3A_178 = arith.constant 75 : i32
      %dma_start3A_179 = tpu.memref_slice %arg14[%scan3A_14, %dma_start3A_178] : memref<16x128xf32, #tpu.memory_space<vmem>> -> memref<1x16xf32, #tpu.memory_space<vmem>>
      %dma_start3A_180 = tpu.memref_squeeze %dma_start3A_179 : memref<1x16xf32, #tpu.memory_space<vmem>> -> memref<16xf32, #tpu.memory_space<vmem>>
      %dma_start3A_181 = arith.constant 0 : i32
      %dma_start3A_182 = tpu.memref_slice %arg3[%dma_start3A_181] : memref<5460000xf32, #tpu.memory_space<hbm>> -> memref<5460000xf32, #tpu.memory_space<hbm>>
      tpu.enqueue_indirect_dma source(%dma_start3A_182 : memref<5460000xf32, #tpu.memory_space<hbm>>) target(%dma_start3A_180 : memref<16xf32, #tpu.memory_space<vmem>>) offsets(%add3A_177 : vector<16xi32>) semaphore(%arg20 : memref<!tpu.dma_semaphore, #tpu.memory_space<semaphore_mem>>)
      %add3A_183 = arith.constant 160000 : i32
      %add3A_184 = vector.broadcast %add3A_183 : i32 to vector<16xi32>
      %add3A_185 = arith.addi %add3A_23, %add3A_184 : vector<16xi32>
      %dma_start3A_186 = arith.constant 0 : i32
      %dma_start3A_187 = tpu.memref_slice %arg18[%scan3A_14, %dma_start3A_186] : memref<16x128xf32, #tpu.memory_space<vmem>> -> memref<1x16xf32, #tpu.memory_space<vmem>>
      %dma_start3A_188 = tpu.memref_squeeze %dma_start3A_187 : memref<1x16xf32, #tpu.memory_space<vmem>> -> memref<16xf32, #tpu.memory_space<vmem>>
      %dma_start3A_189 = arith.constant 0 : i32
      %dma_start3A_190 = tpu.memref_slice %arg5[%dma_start3A_189] : memref<240016xf32, #tpu.memory_space<hbm>> -> memref<240016xf32, #tpu.memory_space<hbm>>
      tpu.enqueue_indirect_dma source(%dma_start3A_190 : memref<240016xf32, #tpu.memory_space<hbm>>) target(%dma_start3A_188 : memref<16xf32, #tpu.memory_space<vmem>>) offsets(%add3A_185 : vector<16xi32>) semaphore(%arg20 : memref<!tpu.dma_semaphore, #tpu.memory_space<semaphore_mem>>)
      %add3A_191 = arith.constant 0 : i32
      %add3A_192 = vector.broadcast %add3A_191 : i32 to vector<16xi32>
      %add3A_193 = arith.addi %add3A_19, %add3A_192 : vector<16xi32>
      %dma_start3A_194 = arith.constant 0 : i32
      %dma_start3A_195 = tpu.memref_slice %arg15[%scan3A_14, %dma_start3A_194] : memref<16x128xf32, #tpu.memory_space<vmem>> -> memref<1x16xf32, #tpu.memory_space<vmem>>
      %dma_start3A_196 = tpu.memref_squeeze %dma_start3A_195 : memref<1x16xf32, #tpu.memory_space<vmem>> -> memref<16xf32, #tpu.memory_space<vmem>>
      %dma_start3A_197 = arith.constant 0 : i32
      %dma_start3A_198 = tpu.memref_slice %arg4[%dma_start3A_197] : memref<1820000xf32, #tpu.memory_space<hbm>> -> memref<1820000xf32, #tpu.memory_space<hbm>>
      tpu.enqueue_indirect_dma source(%dma_start3A_198 : memref<1820000xf32, #tpu.memory_space<hbm>>) target(%dma_start3A_196 : memref<16xf32, #tpu.memory_space<vmem>>) offsets(%add3A_193 : vector<16xi32>) semaphore(%arg20 : memref<!tpu.dma_semaphore, #tpu.memory_space<semaphore_mem>>)
      %add3A_199 = arith.constant 16 : i32
      %add3A_200 = vector.broadcast %add3A_199 : i32 to vector<16xi32>
      %add3A_201 = arith.addi %add3A_19, %add3A_200 : vector<16xi32>
      %dma_start3A_202 = arith.constant 16 : i32
      %dma_start3A_203 = tpu.memref_slice %arg15[%scan3A_14, %dma_start3A_202] : memref<16x128xf32, #tpu.memory_space<vmem>> -> memref<1x16xf32, #tpu.memory_space<vmem>>
      %dma_start3A_204 = tpu.memref_squeeze %dma_start3A_203 : memref<1x16xf32, #tpu.memory_space<vmem>> -> memref<16xf32, #tpu.memory_space<vmem>>
      %dma_start3A_205 = arith.constant 0 : i32
      %dma_start3A_206 = tpu.memref_slice %arg4[%dma_start3A_205] : memref<1820000xf32, #tpu.memory_space<hbm>> -> memref<1820000xf32, #tpu.memory_space<hbm>>
      tpu.enqueue_indirect_dma source(%dma_start3A_206 : memref<1820000xf32, #tpu.memory_space<hbm>>) target(%dma_start3A_204 : memref<16xf32, #tpu.memory_space<vmem>>) offsets(%add3A_201 : vector<16xi32>) semaphore(%arg20 : memref<!tpu.dma_semaphore, #tpu.memory_space<semaphore_mem>>)
      %add3A_207 = arith.constant 32 : i32
      %add3A_208 = vector.broadcast %add3A_207 : i32 to vector<16xi32>
      %add3A_209 = arith.addi %add3A_19, %add3A_208 : vector<16xi32>
      %dma_start3A_210 = arith.constant 32 : i32
      %dma_start3A_211 = tpu.memref_slice %arg15[%scan3A_14, %dma_start3A_210] : memref<16x128xf32, #tpu.memory_space<vmem>> -> memref<1x16xf32, #tpu.memory_space<vmem>>
      %dma_start3A_212 = tpu.memref_squeeze %dma_start3A_211 : memref<1x16xf32, #tpu.memory_space<vmem>> -> memref<16xf32, #tpu.memory_space<vmem>>
      %dma_start3A_213 = arith.constant 0 : i32
      %dma_start3A_214 = tpu.memref_slice %arg4[%dma_start3A_213] : memref<1820000xf32, #tpu.memory_space<hbm>> -> memref<1820000xf32, #tpu.memory_space<hbm>>
      tpu.enqueue_indirect_dma source(%dma_start3A_214 : memref<1820000xf32, #tpu.memory_space<hbm>>) target(%dma_start3A_212 : memref<16xf32, #tpu.memory_space<vmem>>) offsets(%add3A_209 : vector<16xi32>) semaphore(%arg20 : memref<!tpu.dma_semaphore, #tpu.memory_space<semaphore_mem>>)
      %add3A_215 = arith.constant 48 : i32
      %add3A_216 = vector.broadcast %add3A_215 : i32 to vector<16xi32>
      %add3A_217 = arith.addi %add3A_19, %add3A_216 : vector<16xi32>
      %dma_start3A_218 = arith.constant 48 : i32
      %dma_start3A_219 = tpu.memref_slice %arg15[%scan3A_14, %dma_start3A_218] : memref<16x128xf32, #tpu.memory_space<vmem>> -> memref<1x16xf32, #tpu.memory_space<vmem>>
      %dma_start3A_220 = tpu.memref_squeeze %dma_start3A_219 : memref<1x16xf32, #tpu.memory_space<vmem>> -> memref<16xf32, #tpu.memory_space<vmem>>
      %dma_start3A_221 = arith.constant 0 : i32
      %dma_start3A_222 = tpu.memref_slice %arg4[%dma_start3A_221] : memref<1820000xf32, #tpu.memory_space<hbm>> -> memref<1820000xf32, #tpu.memory_space<hbm>>
      tpu.enqueue_indirect_dma source(%dma_start3A_222 : memref<1820000xf32, #tpu.memory_space<hbm>>) target(%dma_start3A_220 : memref<16xf32, #tpu.memory_space<vmem>>) offsets(%add3A_217 : vector<16xi32>) semaphore(%arg20 : memref<!tpu.dma_semaphore, #tpu.memory_space<semaphore_mem>>)
      %add3A_223 = arith.constant 64 : i32
      %add3A_224 = vector.broadcast %add3A_223 : i32 to vector<16xi32>
      %add3A_225 = arith.addi %add3A_19, %add3A_224 : vector<16xi32>
      %dma_start3A_226 = arith.constant 64 : i32
      %dma_start3A_227 = tpu.memref_slice %arg15[%scan3A_14, %dma_start3A_226] : memref<16x128xf32, #tpu.memory_space<vmem>> -> memref<1x16xf32, #tpu.memory_space<vmem>>
      %dma_start3A_228 = tpu.memref_squeeze %dma_start3A_227 : memref<1x16xf32, #tpu.memory_space<vmem>> -> memref<16xf32, #tpu.memory_space<vmem>>
      %dma_start3A_229 = arith.constant 0 : i32
      %dma_start3A_230 = tpu.memref_slice %arg4[%dma_start3A_229] : memref<1820000xf32, #tpu.memory_space<hbm>> -> memref<1820000xf32, #tpu.memory_space<hbm>>
      tpu.enqueue_indirect_dma source(%dma_start3A_230 : memref<1820000xf32, #tpu.memory_space<hbm>>) target(%dma_start3A_228 : memref<16xf32, #tpu.memory_space<vmem>>) offsets(%add3A_225 : vector<16xi32>) semaphore(%arg20 : memref<!tpu.dma_semaphore, #tpu.memory_space<semaphore_mem>>)
      %add3A_231 = arith.constant 75 : i32
      %add3A_232 = vector.broadcast %add3A_231 : i32 to vector<16xi32>
      %add3A_233 = arith.addi %add3A_19, %add3A_232 : vector<16xi32>
      %dma_start3A_234 = arith.constant 75 : i32
      %dma_start3A_235 = tpu.memref_slice %arg15[%scan3A_14, %dma_start3A_234] : memref<16x128xf32, #tpu.memory_space<vmem>> -> memref<1x16xf32, #tpu.memory_space<vmem>>
      %dma_start3A_236 = tpu.memref_squeeze %dma_start3A_235 : memref<1x16xf32, #tpu.memory_space<vmem>> -> memref<16xf32, #tpu.memory_space<vmem>>
      %dma_start3A_237 = arith.constant 0 : i32
      %dma_start3A_238 = tpu.memref_slice %arg4[%dma_start3A_237] : memref<1820000xf32, #tpu.memory_space<hbm>> -> memref<1820000xf32, #tpu.memory_space<hbm>>
      tpu.enqueue_indirect_dma source(%dma_start3A_238 : memref<1820000xf32, #tpu.memory_space<hbm>>) target(%dma_start3A_236 : memref<16xf32, #tpu.memory_space<vmem>>) offsets(%add3A_233 : vector<16xi32>) semaphore(%arg20 : memref<!tpu.dma_semaphore, #tpu.memory_space<semaphore_mem>>)
      %dma_start3A_239 = arith.constant 0 : i32
      %dma_start3A_240 = tpu.memref_slice %arg19[%scan3A_14, %dma_start3A_239] : memref<16x128xf32, #tpu.memory_space<vmem>> -> memref<1x16xf32, #tpu.memory_space<vmem>>
      %dma_start3A_241 = tpu.memref_squeeze %dma_start3A_240 : memref<1x16xf32, #tpu.memory_space<vmem>> -> memref<16xf32, #tpu.memory_space<vmem>>
      %dma_start3A_242 = arith.constant 0 : i32
      %dma_start3A_243 = tpu.memref_slice %arg6[%dma_start3A_242] : memref<80016xf32, #tpu.memory_space<hbm>> -> memref<80016xf32, #tpu.memory_space<hbm>>
      tpu.enqueue_indirect_dma source(%dma_start3A_243 : memref<80016xf32, #tpu.memory_space<hbm>>) target(%dma_start3A_241 : memref<16xf32, #tpu.memory_space<vmem>>) offsets(%add3A_23 : vector<16xi32>) semaphore(%arg20 : memref<!tpu.dma_semaphore, #tpu.memory_space<semaphore_mem>>)
      %dma_wait3A = arith.constant 0 : i32
      %dma_wait3A_244 = tpu.memref_slice %arg12[%scan3A_14, %dma_wait3A] : memref<16x128xf32, #tpu.memory_space<vmem>> -> memref<1x16xf32, #tpu.memory_space<vmem>>
      %dma_wait3A_245 = tpu.memref_squeeze %dma_wait3A_244 : memref<1x16xf32, #tpu.memory_space<vmem>> -> memref<16xf32, #tpu.memory_space<vmem>>
      %dma_wait3A_246 = arith.constant 0 : i32
      %dma_wait3A_247 = tpu.memref_slice %arg3[%dma_wait3A_246] : memref<5460000xf32, #tpu.memory_space<hbm>> -> memref<5460000xf32, #tpu.memory_space<hbm>>
      tpu.wait_indirect_dma semaphore(%arg20 : memref<!tpu.dma_semaphore, #tpu.memory_space<semaphore_mem>>) src(%dma_wait3A_247 : memref<5460000xf32, #tpu.memory_space<hbm>>) dst(%dma_wait3A_245 : memref<16xf32, #tpu.memory_space<vmem>>)
      %dma_wait3A_248 = arith.constant 16 : i32
      %dma_wait3A_249 = tpu.memref_slice %arg12[%scan3A_14, %dma_wait3A_248] : memref<16x128xf32, #tpu.memory_space<vmem>> -> memref<1x16xf32, #tpu.memory_space<vmem>>
      %dma_wait3A_250 = tpu.memref_squeeze %dma_wait3A_249 : memref<1x16xf32, #tpu.memory_space<vmem>> -> memref<16xf32, #tpu.memory_space<vmem>>
      %dma_wait3A_251 = arith.constant 0 : i32
      %dma_wait3A_252 = tpu.memref_slice %arg3[%dma_wait3A_251] : memref<5460000xf32, #tpu.memory_space<hbm>> -> memref<5460000xf32, #tpu.memory_space<hbm>>
      tpu.wait_indirect_dma semaphore(%arg20 : memref<!tpu.dma_semaphore, #tpu.memory_space<semaphore_mem>>) src(%dma_wait3A_252 : memref<5460000xf32, #tpu.memory_space<hbm>>) dst(%dma_wait3A_250 : memref<16xf32, #tpu.memory_space<vmem>>)
      %dma_wait3A_253 = arith.constant 32 : i32
      %dma_wait3A_254 = tpu.memref_slice %arg12[%scan3A_14, %dma_wait3A_253] : memref<16x128xf32, #tpu.memory_space<vmem>> -> memref<1x16xf32, #tpu.memory_space<vmem>>
      %dma_wait3A_255 = tpu.memref_squeeze %dma_wait3A_254 : memref<1x16xf32, #tpu.memory_space<vmem>> -> memref<16xf32, #tpu.memory_space<vmem>>
      %dma_wait3A_256 = arith.constant 0 : i32
      %dma_wait3A_257 = tpu.memref_slice %arg3[%dma_wait3A_256] : memref<5460000xf32, #tpu.memory_space<hbm>> -> memref<5460000xf32, #tpu.memory_space<hbm>>
      tpu.wait_indirect_dma semaphore(%arg20 : memref<!tpu.dma_semaphore, #tpu.memory_space<semaphore_mem>>) src(%dma_wait3A_257 : memref<5460000xf32, #tpu.memory_space<hbm>>) dst(%dma_wait3A_255 : memref<16xf32, #tpu.memory_space<vmem>>)
      %dma_wait3A_258 = arith.constant 48 : i32
      %dma_wait3A_259 = tpu.memref_slice %arg12[%scan3A_14, %dma_wait3A_258] : memref<16x128xf32, #tpu.memory_space<vmem>> -> memref<1x16xf32, #tpu.memory_space<vmem>>
      %dma_wait3A_260 = tpu.memref_squeeze %dma_wait3A_259 : memref<1x16xf32, #tpu.memory_space<vmem>> -> memref<16xf32, #tpu.memory_space<vmem>>
      %dma_wait3A_261 = arith.constant 0 : i32
      %dma_wait3A_262 = tpu.memref_slice %arg3[%dma_wait3A_261] : memref<5460000xf32, #tpu.memory_space<hbm>> -> memref<5460000xf32, #tpu.memory_space<hbm>>
      tpu.wait_indirect_dma semaphore(%arg20 : memref<!tpu.dma_semaphore, #tpu.memory_space<semaphore_mem>>) src(%dma_wait3A_262 : memref<5460000xf32, #tpu.memory_space<hbm>>) dst(%dma_wait3A_260 : memref<16xf32, #tpu.memory_space<vmem>>)
      %dma_wait3A_263 = arith.constant 64 : i32
      %dma_wait3A_264 = tpu.memref_slice %arg12[%scan3A_14, %dma_wait3A_263] : memref<16x128xf32, #tpu.memory_space<vmem>> -> memref<1x16xf32, #tpu.memory_space<vmem>>
      %dma_wait3A_265 = tpu.memref_squeeze %dma_wait3A_264 : memref<1x16xf32, #tpu.memory_space<vmem>> -> memref<16xf32, #tpu.memory_space<vmem>>
      %dma_wait3A_266 = arith.constant 0 : i32
      %dma_wait3A_267 = tpu.memref_slice %arg3[%dma_wait3A_266] : memref<5460000xf32, #tpu.memory_space<hbm>> -> memref<5460000xf32, #tpu.memory_space<hbm>>
      tpu.wait_indirect_dma semaphore(%arg20 : memref<!tpu.dma_semaphore, #tpu.memory_space<semaphore_mem>>) src(%dma_wait3A_267 : memref<5460000xf32, #tpu.memory_space<hbm>>) dst(%dma_wait3A_265 : memref<16xf32, #tpu.memory_space<vmem>>)
      %dma_wait3A_268 = arith.constant 75 : i32
      %dma_wait3A_269 = tpu.memref_slice %arg12[%scan3A_14, %dma_wait3A_268] : memref<16x128xf32, #tpu.memory_space<vmem>> -> memref<1x16xf32, #tpu.memory_space<vmem>>
      %dma_wait3A_270 = tpu.memref_squeeze %dma_wait3A_269 : memref<1x16xf32, #tpu.memory_space<vmem>> -> memref<16xf32, #tpu.memory_space<vmem>>
      %dma_wait3A_271 = arith.constant 0 : i32
      %dma_wait3A_272 = tpu.memref_slice %arg3[%dma_wait3A_271] : memref<5460000xf32, #tpu.memory_space<hbm>> -> memref<5460000xf32, #tpu.memory_space<hbm>>
      tpu.wait_indirect_dma semaphore(%arg20 : memref<!tpu.dma_semaphore, #tpu.memory_space<semaphore_mem>>) src(%dma_wait3A_272 : memref<5460000xf32, #tpu.memory_space<hbm>>) dst(%dma_wait3A_270 : memref<16xf32, #tpu.memory_space<vmem>>)
      %dma_wait3A_273 = arith.constant 0 : i32
      %dma_wait3A_274 = tpu.memref_slice %arg16[%scan3A_14, %dma_wait3A_273] : memref<16x128xf32, #tpu.memory_space<vmem>> -> memref<1x16xf32, #tpu.memory_space<vmem>>
      %dma_wait3A_275 = tpu.memref_squeeze %dma_wait3A_274 : memref<1x16xf32, #tpu.memory_space<vmem>> -> memref<16xf32, #tpu.memory_space<vmem>>
      %dma_wait3A_276 = arith.constant 0 : i32
      %dma_wait3A_277 = tpu.memref_slice %arg5[%dma_wait3A_276] : memref<240016xf32, #tpu.memory_space<hbm>> -> memref<240016xf32, #tpu.memory_space<hbm>>
      tpu.wait_indirect_dma semaphore(%arg20 : memref<!tpu.dma_semaphore, #tpu.memory_space<semaphore_mem>>) src(%dma_wait3A_277 : memref<240016xf32, #tpu.memory_space<hbm>>) dst(%dma_wait3A_275 : memref<16xf32, #tpu.memory_space<vmem>>)
      %dma_wait3A_278 = arith.constant 0 : i32
      %dma_wait3A_279 = tpu.memref_slice %arg13[%scan3A_14, %dma_wait3A_278] : memref<16x128xf32, #tpu.memory_space<vmem>> -> memref<1x16xf32, #tpu.memory_space<vmem>>
      %dma_wait3A_280 = tpu.memref_squeeze %dma_wait3A_279 : memref<1x16xf32, #tpu.memory_space<vmem>> -> memref<16xf32, #tpu.memory_space<vmem>>
      %dma_wait3A_281 = arith.constant 0 : i32
      %dma_wait3A_282 = tpu.memref_slice %arg3[%dma_wait3A_281] : memref<5460000xf32, #tpu.memory_space<hbm>> -> memref<5460000xf32, #tpu.memory_space<hbm>>
      tpu.wait_indirect_dma semaphore(%arg20 : memref<!tpu.dma_semaphore, #tpu.memory_space<semaphore_mem>>) src(%dma_wait3A_282 : memref<5460000xf32, #tpu.memory_space<hbm>>) dst(%dma_wait3A_280 : memref<16xf32, #tpu.memory_space<vmem>>)
      %dma_wait3A_283 = arith.constant 16 : i32
      %dma_wait3A_284 = tpu.memref_slice %arg13[%scan3A_14, %dma_wait3A_283] : memref<16x128xf32, #tpu.memory_space<vmem>> -> memref<1x16xf32, #tpu.memory_space<vmem>>
      %dma_wait3A_285 = tpu.memref_squeeze %dma_wait3A_284 : memref<1x16xf32, #tpu.memory_space<vmem>> -> memref<16xf32, #tpu.memory_space<vmem>>
      %dma_wait3A_286 = arith.constant 0 : i32
      %dma_wait3A_287 = tpu.memref_slice %arg3[%dma_wait3A_286] : memref<5460000xf32, #tpu.memory_space<hbm>> -> memref<5460000xf32, #tpu.memory_space<hbm>>
      tpu.wait_indirect_dma semaphore(%arg20 : memref<!tpu.dma_semaphore, #tpu.memory_space<semaphore_mem>>) src(%dma_wait3A_287 : memref<5460000xf32, #tpu.memory_space<hbm>>) dst(%dma_wait3A_285 : memref<16xf32, #tpu.memory_space<vmem>>)
      %dma_wait3A_288 = arith.constant 32 : i32
      %dma_wait3A_289 = tpu.memref_slice %arg13[%scan3A_14, %dma_wait3A_288] : memref<16x128xf32, #tpu.memory_space<vmem>> -> memref<1x16xf32, #tpu.memory_space<vmem>>
      %dma_wait3A_290 = tpu.memref_squeeze %dma_wait3A_289 : memref<1x16xf32, #tpu.memory_space<vmem>> -> memref<16xf32, #tpu.memory_space<vmem>>
      %dma_wait3A_291 = arith.constant 0 : i32
      %dma_wait3A_292 = tpu.memref_slice %arg3[%dma_wait3A_291] : memref<5460000xf32, #tpu.memory_space<hbm>> -> memref<5460000xf32, #tpu.memory_space<hbm>>
      tpu.wait_indirect_dma semaphore(%arg20 : memref<!tpu.dma_semaphore, #tpu.memory_space<semaphore_mem>>) src(%dma_wait3A_292 : memref<5460000xf32, #tpu.memory_space<hbm>>) dst(%dma_wait3A_290 : memref<16xf32, #tpu.memory_space<vmem>>)
      %dma_wait3A_293 = arith.constant 48 : i32
      %dma_wait3A_294 = tpu.memref_slice %arg13[%scan3A_14, %dma_wait3A_293] : memref<16x128xf32, #tpu.memory_space<vmem>> -> memref<1x16xf32, #tpu.memory_space<vmem>>
      %dma_wait3A_295 = tpu.memref_squeeze %dma_wait3A_294 : memref<1x16xf32, #tpu.memory_space<vmem>> -> memref<16xf32, #tpu.memory_space<vmem>>
      %dma_wait3A_296 = arith.constant 0 : i32
      %dma_wait3A_297 = tpu.memref_slice %arg3[%dma_wait3A_296] : memref<5460000xf32, #tpu.memory_space<hbm>> -> memref<5460000xf32, #tpu.memory_space<hbm>>
      tpu.wait_indirect_dma semaphore(%arg20 : memref<!tpu.dma_semaphore, #tpu.memory_space<semaphore_mem>>) src(%dma_wait3A_297 : memref<5460000xf32, #tpu.memory_space<hbm>>) dst(%dma_wait3A_295 : memref<16xf32, #tpu.memory_space<vmem>>)
      %dma_wait3A_298 = arith.constant 64 : i32
      %dma_wait3A_299 = tpu.memref_slice %arg13[%scan3A_14, %dma_wait3A_298] : memref<16x128xf32, #tpu.memory_space<vmem>> -> memref<1x16xf32, #tpu.memory_space<vmem>>
      %dma_wait3A_300 = tpu.memref_squeeze %dma_wait3A_299 : memref<1x16xf32, #tpu.memory_space<vmem>> -> memref<16xf32, #tpu.memory_space<vmem>>
      %dma_wait3A_301 = arith.constant 0 : i32
      %dma_wait3A_302 = tpu.memref_slice %arg3[%dma_wait3A_301] : memref<5460000xf32, #tpu.memory_space<hbm>> -> memref<5460000xf32, #tpu.memory_space<hbm>>
      tpu.wait_indirect_dma semaphore(%arg20 : memref<!tpu.dma_semaphore, #tpu.memory_space<semaphore_mem>>) src(%dma_wait3A_302 : memref<5460000xf32, #tpu.memory_space<hbm>>) dst(%dma_wait3A_300 : memref<16xf32, #tpu.memory_space<vmem>>)
      %dma_wait3A_303 = arith.constant 75 : i32
      %dma_wait3A_304 = tpu.memref_slice %arg13[%scan3A_14, %dma_wait3A_303] : memref<16x128xf32, #tpu.memory_space<vmem>> -> memref<1x16xf32, #tpu.memory_space<vmem>>
      %dma_wait3A_305 = tpu.memref_squeeze %dma_wait3A_304 : memref<1x16xf32, #tpu.memory_space<vmem>> -> memref<16xf32, #tpu.memory_space<vmem>>
      %dma_wait3A_306 = arith.constant 0 : i32
      %dma_wait3A_307 = tpu.memref_slice %arg3[%dma_wait3A_306] : memref<5460000xf32, #tpu.memory_space<hbm>> -> memref<5460000xf32, #tpu.memory_space<hbm>>
      tpu.wait_indirect_dma semaphore(%arg20 : memref<!tpu.dma_semaphore, #tpu.memory_space<semaphore_mem>>) src(%dma_wait3A_307 : memref<5460000xf32, #tpu.memory_space<hbm>>) dst(%dma_wait3A_305 : memref<16xf32, #tpu.memory_space<vmem>>)
      %dma_wait3A_308 = arith.constant 0 : i32
      %dma_wait3A_309 = tpu.memref_slice %arg17[%scan3A_14, %dma_wait3A_308] : memref<16x128xf32, #tpu.memory_space<vmem>> -> memref<1x16xf32, #tpu.memory_space<vmem>>
      %dma_wait3A_310 = tpu.memref_squeeze %dma_wait3A_309 : memref<1x16xf32, #tpu.memory_space<vmem>> -> memref<16xf32, #tpu.memory_space<vmem>>
      %dma_wait3A_311 = arith.constant 0 : i32
      %dma_wait3A_312 = tpu.memref_slice %arg5[%dma_wait3A_311] : memref<240016xf32, #tpu.memory_space<hbm>> -> memref<240016xf32, #tpu.memory_space<hbm>>
      tpu.wait_indirect_dma semaphore(%arg20 : memref<!tpu.dma_semaphore, #tpu.memory_space<semaphore_mem>>) src(%dma_wait3A_312 : memref<240016xf32, #tpu.memory_space<hbm>>) dst(%dma_wait3A_310 : memref<16xf32, #tpu.memory_space<vmem>>)
      %dma_wait3A_313 = arith.constant 0 : i32
      %dma_wait3A_314 = tpu.memref_slice %arg14[%scan3A_14, %dma_wait3A_313] : memref<16x128xf32, #tpu.memory_space<vmem>> -> memref<1x16xf32, #tpu.memory_space<vmem>>
      %dma_wait3A_315 = tpu.memref_squeeze %dma_wait3A_314 : memref<1x16xf32, #tpu.memory_space<vmem>> -> memref<16xf32, #tpu.memory_space<vmem>>
      %dma_wait3A_316 = arith.constant 0 : i32
      %dma_wait3A_317 = tpu.memref_slice %arg3[%dma_wait3A_316] : memref<5460000xf32, #tpu.memory_space<hbm>> -> memref<5460000xf32, #tpu.memory_space<hbm>>
      tpu.wait_indirect_dma semaphore(%arg20 : memref<!tpu.dma_semaphore, #tpu.memory_space<semaphore_mem>>) src(%dma_wait3A_317 : memref<5460000xf32, #tpu.memory_space<hbm>>) dst(%dma_wait3A_315 : memref<16xf32, #tpu.memory_space<vmem>>)
      %dma_wait3A_318 = arith.constant 16 : i32
      %dma_wait3A_319 = tpu.memref_slice %arg14[%scan3A_14, %dma_wait3A_318] : memref<16x128xf32, #tpu.memory_space<vmem>> -> memref<1x16xf32, #tpu.memory_space<vmem>>
      %dma_wait3A_320 = tpu.memref_squeeze %dma_wait3A_319 : memref<1x16xf32, #tpu.memory_space<vmem>> -> memref<16xf32, #tpu.memory_space<vmem>>
      %dma_wait3A_321 = arith.constant 0 : i32
      %dma_wait3A_322 = tpu.memref_slice %arg3[%dma_wait3A_321] : memref<5460000xf32, #tpu.memory_space<hbm>> -> memref<5460000xf32, #tpu.memory_space<hbm>>
      tpu.wait_indirect_dma semaphore(%arg20 : memref<!tpu.dma_semaphore, #tpu.memory_space<semaphore_mem>>) src(%dma_wait3A_322 : memref<5460000xf32, #tpu.memory_space<hbm>>) dst(%dma_wait3A_320 : memref<16xf32, #tpu.memory_space<vmem>>)
      %dma_wait3A_323 = arith.constant 32 : i32
      %dma_wait3A_324 = tpu.memref_slice %arg14[%scan3A_14, %dma_wait3A_323] : memref<16x128xf32, #tpu.memory_space<vmem>> -> memref<1x16xf32, #tpu.memory_space<vmem>>
      %dma_wait3A_325 = tpu.memref_squeeze %dma_wait3A_324 : memref<1x16xf32, #tpu.memory_space<vmem>> -> memref<16xf32, #tpu.memory_space<vmem>>
      %dma_wait3A_326 = arith.constant 0 : i32
      %dma_wait3A_327 = tpu.memref_slice %arg3[%dma_wait3A_326] : memref<5460000xf32, #tpu.memory_space<hbm>> -> memref<5460000xf32, #tpu.memory_space<hbm>>
      tpu.wait_indirect_dma semaphore(%arg20 : memref<!tpu.dma_semaphore, #tpu.memory_space<semaphore_mem>>) src(%dma_wait3A_327 : memref<5460000xf32, #tpu.memory_space<hbm>>) dst(%dma_wait3A_325 : memref<16xf32, #tpu.memory_space<vmem>>)
      %dma_wait3A_328 = arith.constant 48 : i32
      %dma_wait3A_329 = tpu.memref_slice %arg14[%scan3A_14, %dma_wait3A_328] : memref<16x128xf32, #tpu.memory_space<vmem>> -> memref<1x16xf32, #tpu.memory_space<vmem>>
      %dma_wait3A_330 = tpu.memref_squeeze %dma_wait3A_329 : memref<1x16xf32, #tpu.memory_space<vmem>> -> memref<16xf32, #tpu.memory_space<vmem>>
      %dma_wait3A_331 = arith.constant 0 : i32
      %dma_wait3A_332 = tpu.memref_slice %arg3[%dma_wait3A_331] : memref<5460000xf32, #tpu.memory_space<hbm>> -> memref<5460000xf32, #tpu.memory_space<hbm>>
      tpu.wait_indirect_dma semaphore(%arg20 : memref<!tpu.dma_semaphore, #tpu.memory_space<semaphore_mem>>) src(%dma_wait3A_332 : memref<5460000xf32, #tpu.memory_space<hbm>>) dst(%dma_wait3A_330 : memref<16xf32, #tpu.memory_space<vmem>>)
      %dma_wait3A_333 = arith.constant 64 : i32
      %dma_wait3A_334 = tpu.memref_slice %arg14[%scan3A_14, %dma_wait3A_333] : memref<16x128xf32, #tpu.memory_space<vmem>> -> memref<1x16xf32, #tpu.memory_space<vmem>>
      %dma_wait3A_335 = tpu.memref_squeeze %dma_wait3A_334 : memref<1x16xf32, #tpu.memory_space<vmem>> -> memref<16xf32, #tpu.memory_space<vmem>>
      %dma_wait3A_336 = arith.constant 0 : i32
      %dma_wait3A_337 = tpu.memref_slice %arg3[%dma_wait3A_336] : memref<5460000xf32, #tpu.memory_space<hbm>> -> memref<5460000xf32, #tpu.memory_space<hbm>>
      tpu.wait_indirect_dma semaphore(%arg20 : memref<!tpu.dma_semaphore, #tpu.memory_space<semaphore_mem>>) src(%dma_wait3A_337 : memref<5460000xf32, #tpu.memory_space<hbm>>) dst(%dma_wait3A_335 : memref<16xf32, #tpu.memory_space<vmem>>)
      %dma_wait3A_338 = arith.constant 75 : i32
      %dma_wait3A_339 = tpu.memref_slice %arg14[%scan3A_14, %dma_wait3A_338] : memref<16x128xf32, #tpu.memory_space<vmem>> -> memref<1x16xf32, #tpu.memory_space<vmem>>
      %dma_wait3A_340 = tpu.memref_squeeze %dma_wait3A_339 : memref<1x16xf32, #tpu.memory_space<vmem>> -> memref<16xf32, #tpu.memory_space<vmem>>
      %dma_wait3A_341 = arith.constant 0 : i32
      %dma_wait3A_342 = tpu.memref_slice %arg3[%dma_wait3A_341] : memref<5460000xf32, #tpu.memory_space<hbm>> -> memref<5460000xf32, #tpu.memory_space<hbm>>
      tpu.wait_indirect_dma semaphore(%arg20 : memref<!tpu.dma_semaphore, #tpu.memory_space<semaphore_mem>>) src(%dma_wait3A_342 : memref<5460000xf32, #tpu.memory_space<hbm>>) dst(%dma_wait3A_340 : memref<16xf32, #tpu.memory_space<vmem>>)
      %dma_wait3A_343 = arith.constant 0 : i32
      %dma_wait3A_344 = tpu.memref_slice %arg18[%scan3A_14, %dma_wait3A_343] : memref<16x128xf32, #tpu.memory_space<vmem>> -> memref<1x16xf32, #tpu.memory_space<vmem>>
      %dma_wait3A_345 = tpu.memref_squeeze %dma_wait3A_344 : memref<1x16xf32, #tpu.memory_space<vmem>> -> memref<16xf32, #tpu.memory_space<vmem>>
      %dma_wait3A_346 = arith.constant 0 : i32
      %dma_wait3A_347 = tpu.memref_slice %arg5[%dma_wait3A_346] : memref<240016xf32, #tpu.memory_space<hbm>> -> memref<240016xf32, #tpu.memory_space<hbm>>
      tpu.wait_indirect_dma semaphore(%arg20 : memref<!tpu.dma_semaphore, #tpu.memory_space<semaphore_mem>>) src(%dma_wait3A_347 : memref<240016xf32, #tpu.memory_space<hbm>>) dst(%dma_wait3A_345 : memref<16xf32, #tpu.memory_space<vmem>>)
      %dma_wait3A_348 = arith.constant 0 : i32
      %dma_wait3A_349 = tpu.memref_slice %arg15[%scan3A_14, %dma_wait3A_348] : memref<16x128xf32, #tpu.memory_space<vmem>> -> memref<1x16xf32, #tpu.memory_space<vmem>>
      %dma_wait3A_350 = tpu.memref_squeeze %dma_wait3A_349 : memref<1x16xf32, #tpu.memory_space<vmem>> -> memref<16xf32, #tpu.memory_space<vmem>>
      %dma_wait3A_351 = arith.constant 0 : i32
      %dma_wait3A_352 = tpu.memref_slice %arg4[%dma_wait3A_351] : memref<1820000xf32, #tpu.memory_space<hbm>> -> memref<1820000xf32, #tpu.memory_space<hbm>>
      tpu.wait_indirect_dma semaphore(%arg20 : memref<!tpu.dma_semaphore, #tpu.memory_space<semaphore_mem>>) src(%dma_wait3A_352 : memref<1820000xf32, #tpu.memory_space<hbm>>) dst(%dma_wait3A_350 : memref<16xf32, #tpu.memory_space<vmem>>)
      %dma_wait3A_353 = arith.constant 16 : i32
      %dma_wait3A_354 = tpu.memref_slice %arg15[%scan3A_14, %dma_wait3A_353] : memref<16x128xf32, #tpu.memory_space<vmem>> -> memref<1x16xf32, #tpu.memory_space<vmem>>
      %dma_wait3A_355 = tpu.memref_squeeze %dma_wait3A_354 : memref<1x16xf32, #tpu.memory_space<vmem>> -> memref<16xf32, #tpu.memory_space<vmem>>
      %dma_wait3A_356 = arith.constant 0 : i32
      %dma_wait3A_357 = tpu.memref_slice %arg4[%dma_wait3A_356] : memref<1820000xf32, #tpu.memory_space<hbm>> -> memref<1820000xf32, #tpu.memory_space<hbm>>
      tpu.wait_indirect_dma semaphore(%arg20 : memref<!tpu.dma_semaphore, #tpu.memory_space<semaphore_mem>>) src(%dma_wait3A_357 : memref<1820000xf32, #tpu.memory_space<hbm>>) dst(%dma_wait3A_355 : memref<16xf32, #tpu.memory_space<vmem>>)
      %dma_wait3A_358 = arith.constant 32 : i32
      %dma_wait3A_359 = tpu.memref_slice %arg15[%scan3A_14, %dma_wait3A_358] : memref<16x128xf32, #tpu.memory_space<vmem>> -> memref<1x16xf32, #tpu.memory_space<vmem>>
      %dma_wait3A_360 = tpu.memref_squeeze %dma_wait3A_359 : memref<1x16xf32, #tpu.memory_space<vmem>> -> memref<16xf32, #tpu.memory_space<vmem>>
      %dma_wait3A_361 = arith.constant 0 : i32
      %dma_wait3A_362 = tpu.memref_slice %arg4[%dma_wait3A_361] : memref<1820000xf32, #tpu.memory_space<hbm>> -> memref<1820000xf32, #tpu.memory_space<hbm>>
      tpu.wait_indirect_dma semaphore(%arg20 : memref<!tpu.dma_semaphore, #tpu.memory_space<semaphore_mem>>) src(%dma_wait3A_362 : memref<1820000xf32, #tpu.memory_space<hbm>>) dst(%dma_wait3A_360 : memref<16xf32, #tpu.memory_space<vmem>>)
      %dma_wait3A_363 = arith.constant 48 : i32
      %dma_wait3A_364 = tpu.memref_slice %arg15[%scan3A_14, %dma_wait3A_363] : memref<16x128xf32, #tpu.memory_space<vmem>> -> memref<1x16xf32, #tpu.memory_space<vmem>>
      %dma_wait3A_365 = tpu.memref_squeeze %dma_wait3A_364 : memref<1x16xf32, #tpu.memory_space<vmem>> -> memref<16xf32, #tpu.memory_space<vmem>>
      %dma_wait3A_366 = arith.constant 0 : i32
      %dma_wait3A_367 = tpu.memref_slice %arg4[%dma_wait3A_366] : memref<1820000xf32, #tpu.memory_space<hbm>> -> memref<1820000xf32, #tpu.memory_space<hbm>>
      tpu.wait_indirect_dma semaphore(%arg20 : memref<!tpu.dma_semaphore, #tpu.memory_space<semaphore_mem>>) src(%dma_wait3A_367 : memref<1820000xf32, #tpu.memory_space<hbm>>) dst(%dma_wait3A_365 : memref<16xf32, #tpu.memory_space<vmem>>)
      %dma_wait3A_368 = arith.constant 64 : i32
      %dma_wait3A_369 = tpu.memref_slice %arg15[%scan3A_14, %dma_wait3A_368] : memref<16x128xf32, #tpu.memory_space<vmem>> -> memref<1x16xf32, #tpu.memory_space<vmem>>
      %dma_wait3A_370 = tpu.memref_squeeze %dma_wait3A_369 : memref<1x16xf32, #tpu.memory_space<vmem>> -> memref<16xf32, #tpu.memory_space<vmem>>
      %dma_wait3A_371 = arith.constant 0 : i32
      %dma_wait3A_372 = tpu.memref_slice %arg4[%dma_wait3A_371] : memref<1820000xf32, #tpu.memory_space<hbm>> -> memref<1820000xf32, #tpu.memory_space<hbm>>
      tpu.wait_indirect_dma semaphore(%arg20 : memref<!tpu.dma_semaphore, #tpu.memory_space<semaphore_mem>>) src(%dma_wait3A_372 : memref<1820000xf32, #tpu.memory_space<hbm>>) dst(%dma_wait3A_370 : memref<16xf32, #tpu.memory_space<vmem>>)
      %dma_wait3A_373 = arith.constant 75 : i32
      %dma_wait3A_374 = tpu.memref_slice %arg15[%scan3A_14, %dma_wait3A_373] : memref<16x128xf32, #tpu.memory_space<vmem>> -> memref<1x16xf32, #tpu.memory_space<vmem>>
      %dma_wait3A_375 = tpu.memref_squeeze %dma_wait3A_374 : memref<1x16xf32, #tpu.memory_space<vmem>> -> memref<16xf32, #tpu.memory_space<vmem>>
      %dma_wait3A_376 = arith.constant 0 : i32
      %dma_wait3A_377 = tpu.memref_slice %arg4[%dma_wait3A_376] : memref<1820000xf32, #tpu.memory_space<hbm>> -> memref<1820000xf32, #tpu.memory_space<hbm>>
      tpu.wait_indirect_dma semaphore(%arg20 : memref<!tpu.dma_semaphore, #tpu.memory_space<semaphore_mem>>) src(%dma_wait3A_377 : memref<1820000xf32, #tpu.memory_space<hbm>>) dst(%dma_wait3A_375 : memref<16xf32, #tpu.memory_space<vmem>>)
      %dma_wait3A_378 = arith.constant 0 : i32
      %dma_wait3A_379 = tpu.memref_slice %arg19[%scan3A_14, %dma_wait3A_378] : memref<16x128xf32, #tpu.memory_space<vmem>> -> memref<1x16xf32, #tpu.memory_space<vmem>>
      %dma_wait3A_380 = tpu.memref_squeeze %dma_wait3A_379 : memref<1x16xf32, #tpu.memory_space<vmem>> -> memref<16xf32, #tpu.memory_space<vmem>>
      %dma_wait3A_381 = arith.constant 0 : i32
      %dma_wait3A_382 = tpu.memref_slice %arg6[%dma_wait3A_381] : memref<80016xf32, #tpu.memory_space<hbm>> -> memref<80016xf32, #tpu.memory_space<hbm>>
      tpu.wait_indirect_dma semaphore(%arg20 : memref<!tpu.dma_semaphore, #tpu.memory_space<semaphore_mem>>) src(%dma_wait3A_382 : memref<80016xf32, #tpu.memory_space<hbm>>) dst(%dma_wait3A_380 : memref<16xf32, #tpu.memory_space<vmem>>)
      %scan3A_383 = arith.constant 0 : i32
      scf.yield %scan3A_383 : i32
    }
    %scan3A_8 = arith.constant 16 : i32
    %run_scoped3A = arith.constant 0 : i32
    "tpu.region"() ({
      %run_scoped3A_14 = tpu.sem_alloc : memref<!tpu.dma_semaphore, #tpu.memory_space<semaphore_mem>>
      %dma_start3A = arith.constant 0 : i32
      %dma_start3A_15 = tpu.memref_slice %arg7[%run_scoped3A, %mul3A_2, %dma_start3A] : memref<3x512x128xf32, #tpu.memory_space<hbm>> -> memref<1x16x128xf32, #tpu.memory_space<hbm>>
      %dma_start3A_16 = tpu.memref_squeeze %dma_start3A_15 : memref<1x16x128xf32, #tpu.memory_space<hbm>> -> memref<16x128xf32, #tpu.memory_space<hbm>>
      %dma_start3A_17 = arith.constant 0 : i32
      %dma_start3A_18 = tpu.memref_slice %arg7[%run_scoped3A, %mul3A_2, %dma_start3A_17] : memref<3x512x128xf32, #tpu.memory_space<hbm>> -> memref<1x16x128xf32, #tpu.memory_space<hbm>>
      %dma_start3A_19 = tpu.memref_squeeze %dma_start3A_18 : memref<1x16x128xf32, #tpu.memory_space<hbm>> -> memref<16x128xf32, #tpu.memory_space<hbm>>
      tpu.enqueue_dma source(%arg12 : memref<16x128xf32, #tpu.memory_space<vmem>>) target(%dma_start3A_19 : memref<16x128xf32, #tpu.memory_space<hbm>>) target_semaphore(%run_scoped3A_14 : memref<!tpu.dma_semaphore, #tpu.memory_space<semaphore_mem>>)
      %dma_wait3A = arith.constant 0 : i32
      %dma_wait3A_20 = tpu.memref_slice %arg7[%run_scoped3A, %mul3A_2, %dma_wait3A] : memref<3x512x128xf32, #tpu.memory_space<hbm>> -> memref<1x16x128xf32, #tpu.memory_space<hbm>>
      %dma_wait3A_21 = tpu.memref_squeeze %dma_wait3A_20 : memref<1x16x128xf32, #tpu.memory_space<hbm>> -> memref<16x128xf32, #tpu.memory_space<hbm>>
      %dma_wait3A_22 = arith.constant 0 : i32
      %dma_wait3A_23 = tpu.memref_slice %arg7[%run_scoped3A, %mul3A_2, %dma_wait3A_22] : memref<3x512x128xf32, #tpu.memory_space<hbm>> -> memref<1x16x128xf32, #tpu.memory_space<hbm>>
      %dma_wait3A_24 = tpu.memref_squeeze %dma_wait3A_23 : memref<1x16x128xf32, #tpu.memory_space<hbm>> -> memref<16x128xf32, #tpu.memory_space<hbm>>
      tpu.wait_dma2 semaphore(%run_scoped3A_14 : memref<!tpu.dma_semaphore, #tpu.memory_space<semaphore_mem>>) src(%arg12 : memref<16x128xf32, #tpu.memory_space<vmem>>) dst(%dma_wait3A_24 : memref<16x128xf32, #tpu.memory_space<hbm>>)
      tpu.yield
    }) : () -> ()
    %run_scoped3A_9 = arith.constant 0 : i32
    "tpu.region"() ({
      %run_scoped3A_14 = tpu.sem_alloc : memref<!tpu.dma_semaphore, #tpu.memory_space<semaphore_mem>>
      %dma_start3A = arith.constant 0 : i32
      %dma_start3A_15 = tpu.memref_slice %arg9[%run_scoped3A_9, %mul3A_2, %dma_start3A] : memref<3x512x128xf32, #tpu.memory_space<hbm>> -> memref<1x16x128xf32, #tpu.memory_space<hbm>>
      %dma_start3A_16 = tpu.memref_squeeze %dma_start3A_15 : memref<1x16x128xf32, #tpu.memory_space<hbm>> -> memref<16x128xf32, #tpu.memory_space<hbm>>
      %dma_start3A_17 = arith.constant 0 : i32
      %dma_start3A_18 = tpu.memref_slice %arg9[%run_scoped3A_9, %mul3A_2, %dma_start3A_17] : memref<3x512x128xf32, #tpu.memory_space<hbm>> -> memref<1x16x128xf32, #tpu.memory_space<hbm>>
      %dma_start3A_19 = tpu.memref_squeeze %dma_start3A_18 : memref<1x16x128xf32, #tpu.memory_space<hbm>> -> memref<16x128xf32, #tpu.memory_space<hbm>>
      tpu.enqueue_dma source(%arg16 : memref<16x128xf32, #tpu.memory_space<vmem>>) target(%dma_start3A_19 : memref<16x128xf32, #tpu.memory_space<hbm>>) target_semaphore(%run_scoped3A_14 : memref<!tpu.dma_semaphore, #tpu.memory_space<semaphore_mem>>)
      %dma_wait3A = arith.constant 0 : i32
      %dma_wait3A_20 = tpu.memref_slice %arg9[%run_scoped3A_9, %mul3A_2, %dma_wait3A] : memref<3x512x128xf32, #tpu.memory_space<hbm>> -> memref<1x16x128xf32, #tpu.memory_space<hbm>>
      %dma_wait3A_21 = tpu.memref_squeeze %dma_wait3A_20 : memref<1x16x128xf32, #tpu.memory_space<hbm>> -> memref<16x128xf32, #tpu.memory_space<hbm>>
      %dma_wait3A_22 = arith.constant 0 : i32
      %dma_wait3A_23 = tpu.memref_slice %arg9[%run_scoped3A_9, %mul3A_2, %dma_wait3A_22] : memref<3x512x128xf32, #tpu.memory_space<hbm>> -> memref<1x16x128xf32, #tpu.memory_space<hbm>>
      %dma_wait3A_24 = tpu.memref_squeeze %dma_wait3A_23 : memref<1x16x128xf32, #tpu.memory_space<hbm>> -> memref<16x128xf32, #tpu.memory_space<hbm>>
      tpu.wait_dma2 semaphore(%run_scoped3A_14 : memref<!tpu.dma_semaphore, #tpu.memory_space<semaphore_mem>>) src(%arg16 : memref<16x128xf32, #tpu.memory_space<vmem>>) dst(%dma_wait3A_24 : memref<16x128xf32, #tpu.memory_space<hbm>>)
      tpu.yield
    }) : () -> ()
    %run_scoped3A_10 = arith.constant 1 : i32
    "tpu.region"() ({
      %run_scoped3A_14 = tpu.sem_alloc : memref<!tpu.dma_semaphore, #tpu.memory_space<semaphore_mem>>
      %dma_start3A = arith.constant 0 : i32
      %dma_start3A_15 = tpu.memref_slice %arg7[%run_scoped3A_10, %mul3A_2, %dma_start3A] : memref<3x512x128xf32, #tpu.memory_space<hbm>> -> memref<1x16x128xf32, #tpu.memory_space<hbm>>
      %dma_start3A_16 = tpu.memref_squeeze %dma_start3A_15 : memref<1x16x128xf32, #tpu.memory_space<hbm>> -> memref<16x128xf32, #tpu.memory_space<hbm>>
      %dma_start3A_17 = arith.constant 0 : i32
      %dma_start3A_18 = tpu.memref_slice %arg7[%run_scoped3A_10, %mul3A_2, %dma_start3A_17] : memref<3x512x128xf32, #tpu.memory_space<hbm>> -> memref<1x16x128xf32, #tpu.memory_space<hbm>>
      %dma_start3A_19 = tpu.memref_squeeze %dma_start3A_18 : memref<1x16x128xf32, #tpu.memory_space<hbm>> -> memref<16x128xf32, #tpu.memory_space<hbm>>
      tpu.enqueue_dma source(%arg13 : memref<16x128xf32, #tpu.memory_space<vmem>>) target(%dma_start3A_19 : memref<16x128xf32, #tpu.memory_space<hbm>>) target_semaphore(%run_scoped3A_14 : memref<!tpu.dma_semaphore, #tpu.memory_space<semaphore_mem>>)
      %dma_wait3A = arith.constant 0 : i32
      %dma_wait3A_20 = tpu.memref_slice %arg7[%run_scoped3A_10, %mul3A_2, %dma_wait3A] : memref<3x512x128xf32, #tpu.memory_space<hbm>> -> memref<1x16x128xf32, #tpu.memory_space<hbm>>
      %dma_wait3A_21 = tpu.memref_squeeze %dma_wait3A_20 : memref<1x16x128xf32, #tpu.memory_space<hbm>> -> memref<16x128xf32, #tpu.memory_space<hbm>>
      %dma_wait3A_22 = arith.constant 0 : i32
      %dma_wait3A_23 = tpu.memref_slice %arg7[%run_scoped3A_10, %mul3A_2, %dma_wait3A_22] : memref<3x512x128xf32, #tpu.memory_space<hbm>> -> memref<1x16x128xf32, #tpu.memory_space<hbm>>
      %dma_wait3A_24 = tpu.memref_squeeze %dma_wait3A_23 : memref<1x16x128xf32, #tpu.memory_space<hbm>> -> memref<16x128xf32, #tpu.memory_space<hbm>>
      tpu.wait_dma2 semaphore(%run_scoped3A_14 : memref<!tpu.dma_semaphore, #tpu.memory_space<semaphore_mem>>) src(%arg13 : memref<16x128xf32, #tpu.memory_space<vmem>>) dst(%dma_wait3A_24 : memref<16x128xf32, #tpu.memory_space<hbm>>)
      tpu.yield
    }) : () -> ()
    %run_scoped3A_11 = arith.constant 1 : i32
    "tpu.region"() ({
      %run_scoped3A_14 = tpu.sem_alloc : memref<!tpu.dma_semaphore, #tpu.memory_space<semaphore_mem>>
      %dma_start3A = arith.constant 0 : i32
      %dma_start3A_15 = tpu.memref_slice %arg9[%run_scoped3A_11, %mul3A_2, %dma_start3A] : memref<3x512x128xf32, #tpu.memory_space<hbm>> -> memref<1x16x128xf32, #tpu.memory_space<hbm>>
      %dma_start3A_16 = tpu.memref_squeeze %dma_start3A_15 : memref<1x16x128xf32, #tpu.memory_space<hbm>> -> memref<16x128xf32, #tpu.memory_space<hbm>>
      %dma_start3A_17 = arith.constant 0 : i32
      %dma_start3A_18 = tpu.memref_slice %arg9[%run_scoped3A_11, %mul3A_2, %dma_start3A_17] : memref<3x512x128xf32, #tpu.memory_space<hbm>> -> memref<1x16x128xf32, #tpu.memory_space<hbm>>
      %dma_start3A_19 = tpu.memref_squeeze %dma_start3A_18 : memref<1x16x128xf32, #tpu.memory_space<hbm>> -> memref<16x128xf32, #tpu.memory_space<hbm>>
      tpu.enqueue_dma source(%arg17 : memref<16x128xf32, #tpu.memory_space<vmem>>) target(%dma_start3A_19 : memref<16x128xf32, #tpu.memory_space<hbm>>) target_semaphore(%run_scoped3A_14 : memref<!tpu.dma_semaphore, #tpu.memory_space<semaphore_mem>>)
      %dma_wait3A = arith.constant 0 : i32
      %dma_wait3A_20 = tpu.memref_slice %arg9[%run_scoped3A_11, %mul3A_2, %dma_wait3A] : memref<3x512x128xf32, #tpu.memory_space<hbm>> -> memref<1x16x128xf32, #tpu.memory_space<hbm>>
      %dma_wait3A_21 = tpu.memref_squeeze %dma_wait3A_20 : memref<1x16x128xf32, #tpu.memory_space<hbm>> -> memref<16x128xf32, #tpu.memory_space<hbm>>
      %dma_wait3A_22 = arith.constant 0 : i32
      %dma_wait3A_23 = tpu.memref_slice %arg9[%run_scoped3A_11, %mul3A_2, %dma_wait3A_22] : memref<3x512x128xf32, #tpu.memory_space<hbm>> -> memref<1x16x128xf32, #tpu.memory_space<hbm>>
      %dma_wait3A_24 = tpu.memref_squeeze %dma_wait3A_23 : memref<1x16x128xf32, #tpu.memory_space<hbm>> -> memref<16x128xf32, #tpu.memory_space<hbm>>
      tpu.wait_dma2 semaphore(%run_scoped3A_14 : memref<!tpu.dma_semaphore, #tpu.memory_space<semaphore_mem>>) src(%arg17 : memref<16x128xf32, #tpu.memory_space<vmem>>) dst(%dma_wait3A_24 : memref<16x128xf32, #tpu.memory_space<hbm>>)
      tpu.yield
    }) : () -> ()
    %run_scoped3A_12 = arith.constant 2 : i32
    "tpu.region"() ({
      %run_scoped3A_14 = tpu.sem_alloc : memref<!tpu.dma_semaphore, #tpu.memory_space<semaphore_mem>>
      %dma_start3A = arith.constant 0 : i32
      %dma_start3A_15 = tpu.memref_slice %arg7[%run_scoped3A_12, %mul3A_2, %dma_start3A] : memref<3x512x128xf32, #tpu.memory_space<hbm>> -> memref<1x16x128xf32, #tpu.memory_space<hbm>>
      %dma_start3A_16 = tpu.memref_squeeze %dma_start3A_15 : memref<1x16x128xf32, #tpu.memory_space<hbm>> -> memref<16x128xf32, #tpu.memory_space<hbm>>
      %dma_start3A_17 = arith.constant 0 : i32
      %dma_start3A_18 = tpu.memref_slice %arg7[%run_scoped3A_12, %mul3A_2, %dma_start3A_17] : memref<3x512x128xf32, #tpu.memory_space<hbm>> -> memref<1x16x128xf32, #tpu.memory_space<hbm>>
      %dma_start3A_19 = tpu.memref_squeeze %dma_start3A_18 : memref<1x16x128xf32, #tpu.memory_space<hbm>> -> memref<16x128xf32, #tpu.memory_space<hbm>>
      tpu.enqueue_dma source(%arg14 : memref<16x128xf32, #tpu.memory_space<vmem>>) target(%dma_start3A_19 : memref<16x128xf32, #tpu.memory_space<hbm>>) target_semaphore(%run_scoped3A_14 : memref<!tpu.dma_semaphore, #tpu.memory_space<semaphore_mem>>)
      %dma_wait3A = arith.constant 0 : i32
      %dma_wait3A_20 = tpu.memref_slice %arg7[%run_scoped3A_12, %mul3A_2, %dma_wait3A] : memref<3x512x128xf32, #tpu.memory_space<hbm>> -> memref<1x16x128xf32, #tpu.memory_space<hbm>>
      %dma_wait3A_21 = tpu.memref_squeeze %dma_wait3A_20 : memref<1x16x128xf32, #tpu.memory_space<hbm>> -> memref<16x128xf32, #tpu.memory_space<hbm>>
      %dma_wait3A_22 = arith.constant 0 : i32
      %dma_wait3A_23 = tpu.memref_slice %arg7[%run_scoped3A_12, %mul3A_2, %dma_wait3A_22] : memref<3x512x128xf32, #tpu.memory_space<hbm>> -> memref<1x16x128xf32, #tpu.memory_space<hbm>>
      %dma_wait3A_24 = tpu.memref_squeeze %dma_wait3A_23 : memref<1x16x128xf32, #tpu.memory_space<hbm>> -> memref<16x128xf32, #tpu.memory_space<hbm>>
      tpu.wait_dma2 semaphore(%run_scoped3A_14 : memref<!tpu.dma_semaphore, #tpu.memory_space<semaphore_mem>>) src(%arg14 : memref<16x128xf32, #tpu.memory_space<vmem>>) dst(%dma_wait3A_24 : memref<16x128xf32, #tpu.memory_space<hbm>>)
      tpu.yield
    }) : () -> ()
    %run_scoped3A_13 = arith.constant 2 : i32
    "tpu.region"() ({
      %run_scoped3A_14 = tpu.sem_alloc : memref<!tpu.dma_semaphore, #tpu.memory_space<semaphore_mem>>
      %dma_start3A = arith.constant 0 : i32
      %dma_start3A_15 = tpu.memref_slice %arg9[%run_scoped3A_13, %mul3A_2, %dma_start3A] : memref<3x512x128xf32, #tpu.memory_space<hbm>> -> memref<1x16x128xf32, #tpu.memory_space<hbm>>
      %dma_start3A_16 = tpu.memref_squeeze %dma_start3A_15 : memref<1x16x128xf32, #tpu.memory_space<hbm>> -> memref<16x128xf32, #tpu.memory_space<hbm>>
      %dma_start3A_17 = arith.constant 0 : i32
      %dma_start3A_18 = tpu.memref_slice %arg9[%run_scoped3A_13, %mul3A_2, %dma_start3A_17] : memref<3x512x128xf32, #tpu.memory_space<hbm>> -> memref<1x16x128xf32, #tpu.memory_space<hbm>>
      %dma_start3A_19 = tpu.memref_squeeze %dma_start3A_18 : memref<1x16x128xf32, #tpu.memory_space<hbm>> -> memref<16x128xf32, #tpu.memory_space<hbm>>
      tpu.enqueue_dma source(%arg18 : memref<16x128xf32, #tpu.memory_space<vmem>>) target(%dma_start3A_19 : memref<16x128xf32, #tpu.memory_space<hbm>>) target_semaphore(%run_scoped3A_14 : memref<!tpu.dma_semaphore, #tpu.memory_space<semaphore_mem>>)
      %dma_wait3A = arith.constant 0 : i32
      %dma_wait3A_20 = tpu.memref_slice %arg9[%run_scoped3A_13, %mul3A_2, %dma_wait3A] : memref<3x512x128xf32, #tpu.memory_space<hbm>> -> memref<1x16x128xf32, #tpu.memory_space<hbm>>
      %dma_wait3A_21 = tpu.memref_squeeze %dma_wait3A_20 : memref<1x16x128xf32, #tpu.memory_space<hbm>> -> memref<16x128xf32, #tpu.memory_space<hbm>>
      %dma_wait3A_22 = arith.constant 0 : i32
      %dma_wait3A_23 = tpu.memref_slice %arg9[%run_scoped3A_13, %mul3A_2, %dma_wait3A_22] : memref<3x512x128xf32, #tpu.memory_space<hbm>> -> memref<1x16x128xf32, #tpu.memory_space<hbm>>
      %dma_wait3A_24 = tpu.memref_squeeze %dma_wait3A_23 : memref<1x16x128xf32, #tpu.memory_space<hbm>> -> memref<16x128xf32, #tpu.memory_space<hbm>>
      tpu.wait_dma2 semaphore(%run_scoped3A_14 : memref<!tpu.dma_semaphore, #tpu.memory_space<semaphore_mem>>) src(%arg18 : memref<16x128xf32, #tpu.memory_space<vmem>>) dst(%dma_wait3A_24 : memref<16x128xf32, #tpu.memory_space<hbm>>)
      tpu.yield
    }) : () -> ()
    "tpu.region"() ({
      %run_scoped3A_14 = tpu.sem_alloc : memref<!tpu.dma_semaphore, #tpu.memory_space<semaphore_mem>>
      %dma_start3A = arith.constant 0 : i32
      %dma_start3A_15 = tpu.memref_slice %arg8[%mul3A_2, %dma_start3A] : memref<512x128xf32, #tpu.memory_space<hbm>> -> memref<16x128xf32, #tpu.memory_space<hbm>>
      %dma_start3A_16 = arith.constant 0 : i32
      %dma_start3A_17 = tpu.memref_slice %arg8[%mul3A_2, %dma_start3A_16] : memref<512x128xf32, #tpu.memory_space<hbm>> -> memref<16x128xf32, #tpu.memory_space<hbm>>
      tpu.enqueue_dma source(%arg15 : memref<16x128xf32, #tpu.memory_space<vmem>>) target(%dma_start3A_17 : memref<16x128xf32, #tpu.memory_space<hbm>>) target_semaphore(%run_scoped3A_14 : memref<!tpu.dma_semaphore, #tpu.memory_space<semaphore_mem>>)
      %dma_wait3A = arith.constant 0 : i32
      %dma_wait3A_18 = tpu.memref_slice %arg8[%mul3A_2, %dma_wait3A] : memref<512x128xf32, #tpu.memory_space<hbm>> -> memref<16x128xf32, #tpu.memory_space<hbm>>
      %dma_wait3A_19 = arith.constant 0 : i32
      %dma_wait3A_20 = tpu.memref_slice %arg8[%mul3A_2, %dma_wait3A_19] : memref<512x128xf32, #tpu.memory_space<hbm>> -> memref<16x128xf32, #tpu.memory_space<hbm>>
      tpu.wait_dma2 semaphore(%run_scoped3A_14 : memref<!tpu.dma_semaphore, #tpu.memory_space<semaphore_mem>>) src(%arg15 : memref<16x128xf32, #tpu.memory_space<vmem>>) dst(%dma_wait3A_20 : memref<16x128xf32, #tpu.memory_space<hbm>>)
      tpu.yield
    }) : () -> ()
    "tpu.region"() ({
      %run_scoped3A_14 = tpu.sem_alloc : memref<!tpu.dma_semaphore, #tpu.memory_space<semaphore_mem>>
      %dma_start3A = arith.constant 0 : i32
      %dma_start3A_15 = tpu.memref_slice %arg10[%mul3A_2, %dma_start3A] : memref<512x128xf32, #tpu.memory_space<hbm>> -> memref<16x128xf32, #tpu.memory_space<hbm>>
      %dma_start3A_16 = arith.constant 0 : i32
      %dma_start3A_17 = tpu.memref_slice %arg10[%mul3A_2, %dma_start3A_16] : memref<512x128xf32, #tpu.memory_space<hbm>> -> memref<16x128xf32, #tpu.memory_space<hbm>>
      tpu.enqueue_dma source(%arg19 : memref<16x128xf32, #tpu.memory_space<vmem>>) target(%dma_start3A_17 : memref<16x128xf32, #tpu.memory_space<hbm>>) target_semaphore(%run_scoped3A_14 : memref<!tpu.dma_semaphore, #tpu.memory_space<semaphore_mem>>)
      %dma_wait3A = arith.constant 0 : i32
      %dma_wait3A_18 = tpu.memref_slice %arg10[%mul3A_2, %dma_wait3A] : memref<512x128xf32, #tpu.memory_space<hbm>> -> memref<16x128xf32, #tpu.memory_space<hbm>>
      %dma_wait3A_19 = arith.constant 0 : i32
      %dma_wait3A_20 = tpu.memref_slice %arg10[%mul3A_2, %dma_wait3A_19] : memref<512x128xf32, #tpu.memory_space<hbm>> -> memref<16x128xf32, #tpu.memory_space<hbm>>
      tpu.wait_dma2 semaphore(%run_scoped3A_14 : memref<!tpu.dma_semaphore, #tpu.memory_space<semaphore_mem>>) src(%arg19 : memref<16x128xf32, #tpu.memory_space<vmem>>) dst(%dma_wait3A_20 : memref<16x128xf32, #tpu.memory_space<hbm>>)
      tpu.yield
    }) : () -> ()
    return
  }
}

module attributes {stable_mosaic.version = 14 : i64} {
  func.func @_feat_body(%arg0: i32, %arg1: i32, %arg2: memref<1x1x512x512xf32, #tpu.memory_space<vmem>>, %arg3: memref<1x1x1x1xf32, #tpu.memory_space<smem>>) attributes {dimension_semantics = [#tpu.dimension_semantics<arbitrary>, #tpu.dimension_semantics<arbitrary>], iteration_bounds = array<i64: 4, 3>, scalar_prefetch = 0 : i64, scratch_operands = 0 : i64, tpu.core_type = #tpu.core_type<tc>, window_params = [{transform_indices = @transform_0, window_bounds = array<i64: 1, 1, 512, 512>}, {transform_indices = @transform_1, window_bounds = array<i64: 1, 1, 1, 1>}]} {
    %get3A = arith.constant 0 : index
    %get3A_0 = arith.constant 0 : index
    %get3A_1 = arith.constant 0 : index
    %get3A_2 = arith.constant 0 : index
    %get3A_3 = vector.load %arg2[%get3A, %get3A_0, %get3A_1, %get3A_2] : memref<1x1x512x512xf32, #tpu.memory_space<vmem>>, vector<1x1x512x512xf32>
    %get3A_4 = vector.shape_cast %get3A_3 : vector<1x1x512x512xf32> to vector<512x512xf32>
    %reduce_sum3A = vector.shape_cast %get3A_4 : vector<512x512xf32> to vector<1x512x512xf32>
    %reduce_sum3A_5 = arith.constant dense<0.000000e+00> : vector<1xf32>
    %reduce_sum3A_6 = vector.multi_reduction <add>, %reduce_sum3A, %reduce_sum3A_5 [1, 2] : vector<1x512x512xf32> to vector<1xf32>
    %reduce_sum3A_7 = vector.shape_cast %reduce_sum3A_6 : vector<1xf32> to vector<1x1x1xf32>
    %reduce_sum3A_8 = vector.extract %reduce_sum3A_7[0, 0, 0] : f32 from vector<1x1x1xf32>
    %mul3A = arith.constant 3.81469727E-6 : f32
    %mul3A_9 = arith.mulf %reduce_sum3A_8, %mul3A : f32
    %eq3A = arith.constant 0 : i32
    %eq3A_10 = arith.cmpi eq, %arg1, %eq3A : i32
    %eq3A_11 = arith.constant 1 : i32
    %eq3A_12 = arith.cmpi eq, %arg1, %eq3A_11 : i32
    %jit3A = arith.constant 1.162800e+02 : f32
    %jit3A_13 = arith.constant 1.035300e+02 : f32
    %select_n3A = arith.select %eq3A_12, %jit3A, %jit3A_13 : f32
    %jit3A_14 = arith.constant 1.236750e+02 : f32
    %select_n3A_15 = arith.select %eq3A_10, %jit3A_14, %select_n3A : f32
    %eq3A_16 = arith.constant 0 : i32
    %eq3A_17 = arith.cmpi eq, %arg1, %eq3A_16 : i32
    %eq3A_18 = arith.constant 1 : i32
    %eq3A_19 = arith.cmpi eq, %arg1, %eq3A_18 : i32
    %jit3A_20 = arith.constant 5.712000e+01 : f32
    %jit3A_21 = arith.constant 5.737500e+01 : f32
    %select_n3A_22 = arith.select %eq3A_19, %jit3A_20, %jit3A_21 : f32
    %jit3A_23 = arith.constant 5.839500e+01 : f32
    %select_n3A_24 = arith.select %eq3A_17, %jit3A_23, %select_n3A_22 : f32
    %sub3A = arith.subf %mul3A_9, %select_n3A_15 : f32
    %div3A = arith.divf %sub3A, %select_n3A_24 : f32
    %swap3A = arith.constant 0 : index
    %swap3A_25 = arith.constant 0 : index
    %swap3A_26 = arith.constant 0 : index
    %swap3A_27 = arith.constant 0 : index
    %swap3A_28 = memref.load %arg3[%swap3A, %swap3A_25, %swap3A_26, %swap3A_27] : memref<1x1x1x1xf32, #tpu.memory_space<smem>>
    memref.store %div3A, %arg3[%swap3A, %swap3A_25, %swap3A_26, %swap3A_27] : memref<1x1x1x1xf32, #tpu.memory_space<smem>>
    return
  }
  func.func @transform_0(%arg0: i32, %arg1: i32) -> (i32, i32, i32, i32) {
    %sub3A = arith.constant 2 : i32
    %sub3A_0 = arith.subi %sub3A, %arg1 : i32
    %c0_i32 = arith.constant 0 : i32
    %c0_i32_1 = arith.constant 0 : i32
    %c0_i32_2 = arith.constant 0 : i32
    return %arg0, %sub3A_0, %c0_i32, %c0_i32_1 : i32, i32, i32, i32
  }
  func.func @transform_1(%arg0: i32, %arg1: i32) -> (i32, i32, i32, i32) {
    %c0_i32 = arith.constant 0 : i32
    %c0_i32_0 = arith.constant 0 : i32
    %c0_i32_1 = arith.constant 0 : i32
    return %arg0, %arg1, %c0_i32, %c0_i32_0 : i32, i32, i32, i32
  }
}

module attributes {stable_mosaic.version = 14 : i64} {
  func.func @_scores_body(%arg0: i32, %arg1: memref<4x3xf32, #tpu.memory_space<vmem>>, %arg2: memref<3x16x125x91xf32, #tpu.memory_space<vmem>>, %arg3: memref<16x125x91xf32, #tpu.memory_space<vmem>>, %arg4: memref<4x16x125xf32, #tpu.memory_space<vmem>>) attributes {dimension_semantics = [#tpu.dimension_semantics<arbitrary>], iteration_bounds = array<i64: 10>, scalar_prefetch = 0 : i64, scratch_operands = 0 : i64, tpu.core_type = #tpu.core_type<tc>, window_params = [{pipeline_mode = #tpu.pipeline_mode<synchronous>, transform_indices = @transform_0, window_bounds = array<i64: 4, 3>}, {transform_indices = @transform_1, window_bounds = array<i64: 3, 16, 125, 91>}, {transform_indices = @transform_2, window_bounds = array<i64: 16, 125, 91>}, {transform_indices = @transform_3, window_bounds = array<i64: 4, 16, 125>}]} {
    %get3A = arith.constant 0 : index
    %get3A_0 = arith.constant 0 : index
    %get3A_1 = vector.load %arg1[%get3A, %get3A_0] : memref<4x3xf32, #tpu.memory_space<vmem>>, vector<4x3xf32>
    %get3A_2 = arith.constant 0 : index
    %get3A_3 = arith.constant 0 : index
    %get3A_4 = arith.constant 0 : index
    %get3A_5 = arith.constant 0 : index
    %get3A_6 = vector.load %arg2[%get3A_2, %get3A_3, %get3A_4, %get3A_5] : memref<3x16x125x91xf32, #tpu.memory_space<vmem>>, vector<3x16x125x91xf32>
    %dot_general3A = arith.constant dense<0.000000e+00> : vector<4x16x125x91xf32>
    %dot_general3A_7 = tpu.matmul %get3A_1, %get3A_6, %dot_general3A {dimension_numbers = #tpu.dot_dimension_numbers<[1], [0], [0], [1, 2, 3], [0, 0, 1, 1, 1, 2, 1, 3], [], []>, transpose_lhs_hint = false} : vector<4x3xf32>, vector<3x16x125x91xf32>, vector<4x16x125x91xf32> -> vector<4x16x125x91xf32>
    %get3A_8 = arith.constant 0 : index
    %get3A_9 = arith.constant 0 : index
    %get3A_10 = arith.constant 0 : index
    %get3A_11 = vector.load %arg3[%get3A_8, %get3A_9, %get3A_10] : memref<16x125x91xf32, #tpu.memory_space<vmem>>, vector<16x125x91xf32>
    %broadcast_in_dim3A = vector.shape_cast %get3A_11 : vector<16x125x91xf32> to vector<1x16x125x91xf32>
    %add3A = vector.broadcast %broadcast_in_dim3A : vector<1x16x125x91xf32> to vector<4x16x125x91xf32>
    %add3A_12 = arith.addf %dot_general3A_7, %add3A : vector<4x16x125x91xf32>
    %reduce_max3A = arith.constant dense<0xFF800000> : vector<4x16x125xf32>
    %reduce_max3A_13 = vector.multi_reduction <maximumf>, %add3A_12, %reduce_max3A [3] : vector<4x16x125x91xf32> to vector<4x16x125xf32>
    %neg3A = arith.constant 0.000000e+00 : f32
    %neg3A_14 = vector.broadcast %neg3A : f32 to vector<4x16x125xf32>
    %neg3A_15 = arith.subf %neg3A_14, %reduce_max3A_13 : vector<4x16x125xf32>
    %exp3A = math.exp %neg3A_15 : vector<4x16x125xf32>
    %add3A_16 = arith.constant 1.000000e+00 : f32
    %add3A_17 = vector.broadcast %add3A_16 : f32 to vector<4x16x125xf32>
    %add3A_18 = arith.addf %add3A_17, %exp3A : vector<4x16x125xf32>
    %div3A = arith.constant 1.000000e+00 : f32
    %div3A_19 = vector.broadcast %div3A : f32 to vector<4x16x125xf32>
    %div3A_20 = arith.divf %div3A_19, %add3A_18 : vector<4x16x125xf32>
    %swap3A = arith.constant 0 : index
    %swap3A_21 = arith.constant 0 : index
    %swap3A_22 = arith.constant 0 : index
    %swap3A_23 = vector.load %arg4[%swap3A, %swap3A_21, %swap3A_22] : memref<4x16x125xf32, #tpu.memory_space<vmem>>, vector<4x16x125xf32>
    tpu.vector_store %arg4[%swap3A, %swap3A_21, %swap3A_22], %div3A_20 {strides = array<i32>} : memref<4x16x125xf32, #tpu.memory_space<vmem>>, vector<4x16x125xf32>,
    return
  }
  func.func @transform_0(%arg0: i32) -> (i32, i32) {
    %c0_i32 = arith.constant 0 : i32
    %c0_i32_0 = arith.constant 0 : i32
    %c0_i32_1 = arith.constant 0 : i32
    return %c0_i32, %c0_i32_0 : i32, i32
  }
  func.func @transform_1(%arg0: i32) -> (i32, i32, i32, i32) {
    %c0_i32 = arith.constant 0 : i32
    %c0_i32_0 = arith.constant 0 : i32
    %c0_i32_1 = arith.constant 0 : i32
    %c0_i32_2 = arith.constant 0 : i32
    return %c0_i32, %arg0, %c0_i32_0, %c0_i32_1 : i32, i32, i32, i32
  }
  func.func @transform_2(%arg0: i32) -> (i32, i32, i32) {
    %c0_i32 = arith.constant 0 : i32
    %c0_i32_0 = arith.constant 0 : i32
    %c0_i32_1 = arith.constant 0 : i32
    return %arg0, %c0_i32, %c0_i32_0 : i32, i32, i32
  }
  func.func @transform_3(%arg0: i32) -> (i32, i32, i32) {
    %c0_i32 = arith.constant 0 : i32
    %c0_i32_0 = arith.constant 0 : i32
    %c0_i32_1 = arith.constant 0 : i32
    return %c0_i32, %arg0, %c0_i32_0 : i32, i32, i32
  }
}

module attributes {stable_mosaic.version = 14 : i64} {
  func.func @_topk_body(%arg0: memref<4x160x125xf32, #tpu.memory_space<vmem>>, %arg1: memref<4x100xi32, #tpu.memory_space<vmem>>, %arg2: memref<4x160x125xf32, #tpu.memory_space<vmem>>) attributes {dimension_semantics = [], scalar_prefetch = 0 : i64, scratch_operands = 1 : i64, tpu.core_type = #tpu.core_type<tc>} {
    %get3A = arith.constant 0 : index
    %get3A_0 = arith.constant 0 : index
    %get3A_1 = arith.constant 0 : index
    %get3A_2 = vector.load %arg0[%get3A, %get3A_0, %get3A_1] : memref<4x160x125xf32, #tpu.memory_space<vmem>>, vector<4x160x125xf32>
    %swap3A = arith.constant 0 : index
    %swap3A_3 = arith.constant 0 : index
    %swap3A_4 = arith.constant 0 : index
    %swap3A_5 = vector.load %arg2[%swap3A, %swap3A_3, %swap3A_4] : memref<4x160x125xf32, #tpu.memory_space<vmem>>, vector<4x160x125xf32>
    tpu.vector_store %arg2[%swap3A, %swap3A_3, %swap3A_4], %get3A_2 {strides = array<i32>} : memref<4x160x125xf32, #tpu.memory_space<vmem>>, vector<4x160x125xf32>,
    %iota3A = tpu.iota {dimensions = array<i32: 1>} : vector<4x160x125xi32>
    %iota3A_6 = tpu.iota {dimensions = array<i32: 2>} : vector<4x160x125xi32>
    %mul3A = arith.constant 125 : i32
    %mul3A_7 = vector.broadcast %mul3A : i32 to vector<4x160x125xi32>
    %mul3A_8 = arith.muli %iota3A, %mul3A_7 : vector<4x160x125xi32>
    %add3A = arith.addi %mul3A_8, %iota3A_6 : vector<4x160x125xi32>
    %iota3A_9 = tpu.iota {dimensions = array<i32: 1>} : vector<4x128xi32>
    %broadcast_in_dim3A = arith.constant 0 : i32
    %broadcast_in_dim3A_10 = vector.broadcast %broadcast_in_dim3A : i32 to vector<4x128xi32>
    %scan3A = arith.constant -3.000000e+38 : f32
    %scan3A_11 = arith.constant 0 : i32
    %scan3A_12 = arith.constant 100 : i32
    %scan3A_13 = arith.addi %scan3A_11, %scan3A_12 : i32
    %scan3A_14 = arith.constant 1 : i32
    %scan3A_15 = scf.for %scan3A_20 = %scan3A_11 to %scan3A_13 step %scan3A_14 iter_args(%scan3A_21 = %broadcast_in_dim3A_10) -> (vector<4x128xi32>)  : i32 {
      %get3A_22 = arith.constant 0 : index
      %get3A_23 = arith.constant 0 : index
      %get3A_24 = arith.constant 0 : index
      %get3A_25 = vector.load %arg2[%get3A_22, %get3A_23, %get3A_24] : memref<4x160x125xf32, #tpu.memory_space<vmem>>, vector<4x160x125xf32>
      %reduce_max3A = arith.constant dense<0xFF800000> : vector<4xf32>
      %reduce_max3A_26 = vector.multi_reduction <maximumf>, %get3A_25, %reduce_max3A [1, 2] : vector<4x160x125xf32> to vector<4xf32>
      %broadcast_in_dim3A_27 = vector.shape_cast %reduce_max3A_26 : vector<4xf32> to vector<4x1x1xf32>
      %ge3A = vector.broadcast %broadcast_in_dim3A_27 : vector<4x1x1xf32> to vector<4x160x125xf32>
      %ge3A_28 = arith.cmpf oge, %get3A_25, %ge3A : vector<4x160x125xf32>
      %jit3A = arith.constant 1073741824 : i32
      %broadcast_in_dim3A_29 = vector.broadcast %jit3A : i32 to vector<4x160x125xi32>
      %select_n3A = arith.select %ge3A_28, %add3A, %broadcast_in_dim3A_29 : vector<4x160x125xi1>, vector<4x160x125xi32>
      %reduce_min3A = arith.constant dense<2147483647> : vector<4xi32>
      %reduce_min3A_30 = vector.multi_reduction <minsi>, %select_n3A, %reduce_min3A [1, 2] : vector<4x160x125xi32> to vector<4xi32>
      %eq3A = vector.broadcast %scan3A_20 : i32 to vector<4x128xi32>
      %eq3A_31 = arith.cmpi eq, %iota3A_9, %eq3A : vector<4x128xi32>
      %broadcast_in_dim3A_32 = vector.shape_cast %reduce_min3A_30 : vector<4xi32> to vector<4x1xi32>
      %broadcast_in_dim3A_33 = vector.shape_cast %broadcast_in_dim3A_32 : vector<4x1xi32> to vector<4x1xi32>
      %broadcast_in_dim3A_34 = vector.broadcast %broadcast_in_dim3A_33 : vector<4x1xi32> to vector<4x128xi32>
      %select_n3A_35 = arith.select %eq3A_31, %broadcast_in_dim3A_34, %scan3A_21 : vector<4x128xi1>, vector<4x128xi32>
      %broadcast_in_dim3A_36 = vector.shape_cast %reduce_min3A_30 : vector<4xi32> to vector<4x1x1xi32>
      %eq3A_37 = vector.broadcast %broadcast_in_dim3A_36 : vector<4x1x1xi32> to vector<4x160x125xi32>
      %eq3A_38 = arith.cmpi eq, %add3A, %eq3A_37 : vector<4x160x125xi32>
      %broadcast_in_dim3A_39 = vector.broadcast %scan3A : f32 to vector<4x160x125xf32>
      %select_n3A_40 = arith.select %eq3A_38, %broadcast_in_dim3A_39, %get3A_25 : vector<4x160x125xi1>, vector<4x160x125xf32>
      %swap3A_41 = arith.constant 0 : index
      %swap3A_42 = arith.constant 0 : index
      %swap3A_43 = arith.constant 0 : index
      %swap3A_44 = vector.load %arg2[%swap3A_41, %swap3A_42, %swap3A_43] : memref<4x160x125xf32, #tpu.memory_space<vmem>>, vector<4x160x125xf32>
      tpu.vector_store %arg2[%swap3A_41, %swap3A_42, %swap3A_43], %select_n3A_40 {strides = array<i32>} : memref<4x160x125xf32, #tpu.memory_space<vmem>>, vector<4x160x125xf32>,
      scf.yield %select_n3A_35 : vector<4x128xi32>
    }
    %scan3A_16 = arith.constant 100 : i32
    %slice3A = vector.extract_strided_slice %scan3A_15 {offsets = [0, 0], sizes = [4, 100], strides = [1, 1]} : vector<4x128xi32> to vector<4x100xi32>
    %swap3A_17 = arith.constant 0 : index
    %swap3A_18 = arith.constant 0 : index
    %swap3A_19 = vector.load %arg1[%swap3A_17, %swap3A_18] : memref<4x100xi32, #tpu.memory_space<vmem>>, vector<4x100xi32>
    tpu.vector_store %arg1[%swap3A_17, %swap3A_18], %slice3A {strides = array<i32>} : memref<4x100xi32, #tpu.memory_space<vmem>>, vector<4x100xi32>,
    return
  }
}

module attributes {stable_mosaic.version = 14 : i64} {
  func.func @_combine_body(%arg0: memref<512x3xf32, #tpu.memory_space<vmem>>, %arg1: memref<3x512x128xf32, #tpu.memory_space<vmem>>, %arg2: memref<512x128xf32, #tpu.memory_space<vmem>>, %arg3: memref<3x512x128xf32, #tpu.memory_space<vmem>>, %arg4: memref<512x128xf32, #tpu.memory_space<vmem>>, %arg5: memref<512x4xf32, #tpu.memory_space<vmem>>, %arg6: memref<512x91xf32, #tpu.memory_space<vmem>>) attributes {dimension_semantics = [], scalar_prefetch = 0 : i64, scratch_operands = 0 : i64, tpu.core_type = #tpu.core_type<tc>} {
    %get3A = arith.constant 0 : index
    %get3A_0 = arith.constant 0 : index
    %get3A_1 = vector.load %arg0[%get3A, %get3A_0] : memref<512x3xf32, #tpu.memory_space<vmem>>, vector<512x3xf32>
    %slice3A = vector.extract_strided_slice %get3A_1 {offsets = [0, 0], sizes = [512, 1], strides = [1, 1]} : vector<512x3xf32> to vector<512x1xf32>
    %slice3A_2 = vector.extract_strided_slice %get3A_1 {offsets = [0, 1], sizes = [512, 1], strides = [1, 1]} : vector<512x3xf32> to vector<512x1xf32>
    %slice3A_3 = vector.extract_strided_slice %get3A_1 {offsets = [0, 2], sizes = [512, 1], strides = [1, 1]} : vector<512x3xf32> to vector<512x1xf32>
    %get3A_4 = arith.constant 0 : index
    %get3A_5 = arith.constant 0 : index
    %get3A_6 = arith.constant 0 : index
    %get3A_7 = vector.load %arg1[%get3A_4, %get3A_5, %get3A_6] : memref<3x512x128xf32, #tpu.memory_space<vmem>>, vector<1x512x91xf32>
    %get3A_8 = vector.shape_cast %get3A_7 : vector<1x512x91xf32> to vector<512x91xf32>
    %mul3A = vector.broadcast %slice3A : vector<512x1xf32> to vector<512x91xf32>
    %mul3A_9 = arith.mulf %mul3A, %get3A_8 : vector<512x91xf32>
    %get3A_10 = arith.constant 1 : index
    %get3A_11 = arith.constant 0 : index
    %get3A_12 = arith.constant 0 : index
    %get3A_13 = vector.load %arg1[%get3A_10, %get3A_11, %get3A_12] : memref<3x512x128xf32, #tpu.memory_space<vmem>>, vector<1x512x91xf32>
    %get3A_14 = vector.shape_cast %get3A_13 : vector<1x512x91xf32> to vector<512x91xf32>
    %mul3A_15 = vector.broadcast %slice3A_2 : vector<512x1xf32> to vector<512x91xf32>
    %mul3A_16 = arith.mulf %mul3A_15, %get3A_14 : vector<512x91xf32>
    %add3A = arith.addf %mul3A_9, %mul3A_16 : vector<512x91xf32>
    %get3A_17 = arith.constant 2 : index
    %get3A_18 = arith.constant 0 : index
    %get3A_19 = arith.constant 0 : index
    %get3A_20 = vector.load %arg1[%get3A_17, %get3A_18, %get3A_19] : memref<3x512x128xf32, #tpu.memory_space<vmem>>, vector<1x512x91xf32>
    %get3A_21 = vector.shape_cast %get3A_20 : vector<1x512x91xf32> to vector<512x91xf32>
    %mul3A_22 = vector.broadcast %slice3A_3 : vector<512x1xf32> to vector<512x91xf32>
    %mul3A_23 = arith.mulf %mul3A_22, %get3A_21 : vector<512x91xf32>
    %add3A_24 = arith.addf %add3A, %mul3A_23 : vector<512x91xf32>
    %get3A_25 = arith.constant 0 : index
    %get3A_26 = arith.constant 0 : index
    %get3A_27 = vector.load %arg2[%get3A_25, %get3A_26] : memref<512x128xf32, #tpu.memory_space<vmem>>, vector<512x91xf32>
    %add3A_28 = arith.addf %add3A_24, %get3A_27 : vector<512x91xf32>
    %neg3A = arith.constant 0.000000e+00 : f32
    %neg3A_29 = vector.broadcast %neg3A : f32 to vector<512x91xf32>
    %neg3A_30 = arith.subf %neg3A_29, %add3A_28 : vector<512x91xf32>
    %exp3A = math.exp %neg3A_30 : vector<512x91xf32>
    %add3A_31 = arith.constant 1.000000e+00 : f32
    %add3A_32 = vector.broadcast %add3A_31 : f32 to vector<512x91xf32>
    %add3A_33 = arith.addf %add3A_32, %exp3A : vector<512x91xf32>
    %div3A = arith.constant 1.000000e+00 : f32
    %div3A_34 = vector.broadcast %div3A : f32 to vector<512x91xf32>
    %div3A_35 = arith.divf %div3A_34, %add3A_33 : vector<512x91xf32>
    %swap3A = arith.constant 0 : index
    %swap3A_36 = arith.constant 0 : index
    %swap3A_37 = vector.load %arg6[%swap3A, %swap3A_36] : memref<512x91xf32, #tpu.memory_space<vmem>>, vector<512x91xf32>
    tpu.vector_store %arg6[%swap3A, %swap3A_36], %div3A_35 {strides = array<i32>} : memref<512x91xf32, #tpu.memory_space<vmem>>, vector<512x91xf32>,
    %get3A_38 = arith.constant 0 : index
    %get3A_39 = arith.constant 0 : index
    %get3A_40 = arith.constant 0 : index
    %get3A_41 = vector.load %arg3[%get3A_38, %get3A_39, %get3A_40] : memref<3x512x128xf32, #tpu.memory_space<vmem>>, vector<1x512x4xf32>
    %get3A_42 = vector.shape_cast %get3A_41 : vector<1x512x4xf32> to vector<512x4xf32>
    %mul3A_43 = vector.broadcast %slice3A : vector<512x1xf32> to vector<512x4xf32>
    %mul3A_44 = arith.mulf %mul3A_43, %get3A_42 : vector<512x4xf32>
    %get3A_45 = arith.constant 1 : index
    %get3A_46 = arith.constant 0 : index
    %get3A_47 = arith.constant 0 : index
    %get3A_48 = vector.load %arg3[%get3A_45, %get3A_46, %get3A_47] : memref<3x512x128xf32, #tpu.memory_space<vmem>>, vector<1x512x4xf32>
    %get3A_49 = vector.shape_cast %get3A_48 : vector<1x512x4xf32> to vector<512x4xf32>
    %mul3A_50 = vector.broadcast %slice3A_2 : vector<512x1xf32> to vector<512x4xf32>
    %mul3A_51 = arith.mulf %mul3A_50, %get3A_49 : vector<512x4xf32>
    %add3A_52 = arith.addf %mul3A_44, %mul3A_51 : vector<512x4xf32>
    %get3A_53 = arith.constant 2 : index
    %get3A_54 = arith.constant 0 : index
    %get3A_55 = arith.constant 0 : index
    %get3A_56 = vector.load %arg3[%get3A_53, %get3A_54, %get3A_55] : memref<3x512x128xf32, #tpu.memory_space<vmem>>, vector<1x512x4xf32>
    %get3A_57 = vector.shape_cast %get3A_56 : vector<1x512x4xf32> to vector<512x4xf32>
    %mul3A_58 = vector.broadcast %slice3A_3 : vector<512x1xf32> to vector<512x4xf32>
    %mul3A_59 = arith.mulf %mul3A_58, %get3A_57 : vector<512x4xf32>
    %add3A_60 = arith.addf %add3A_52, %mul3A_59 : vector<512x4xf32>
    %get3A_61 = arith.constant 0 : index
    %get3A_62 = arith.constant 0 : index
    %get3A_63 = vector.load %arg4[%get3A_61, %get3A_62] : memref<512x128xf32, #tpu.memory_space<vmem>>, vector<512x4xf32>
    %add3A_64 = arith.addf %add3A_60, %get3A_63 : vector<512x4xf32>
    %swap3A_65 = arith.constant 0 : index
    %swap3A_66 = arith.constant 0 : index
    %swap3A_67 = vector.load %arg5[%swap3A_65, %swap3A_66] : memref<512x4xf32, #tpu.memory_space<vmem>>, vector<512x4xf32>
    tpu.vector_store %arg5[%swap3A_65, %swap3A_66], %add3A_64 {strides = array<i32>} : memref<512x4xf32, #tpu.memory_space<vmem>>, vector<512x4xf32>,
    return
  }
}

</mosaic_0001>

<sc_bundles>
// kernel: kernel.7.cloned.1.call-start
scs
__scs_entry_jumppad:
0x0: {  	(pc) =	sbr.rel $0x88, $3  }
0x1: {  	(tag) =	ssettag $0x0;
	lr =	simm.s32 $0x1  }
0x2: {  	[smem:$0x3F9C] =	sst lr;
	_ =	strace $0xD0000000  }
0x3: {  	_ = 	snop  }
0x4: {  	_ = 	snop  }
0x5: {  	_ = 	snop  }
0x6: {  	_ = 	snop  }
0x7: {  	_ = 	snop  }
__scs_overlays_trampoline_lowered:
0x8: {  	[smem:$0x3FAB] =	sst s0  }
0x9: {  	[smem:$0x3FAC] =	sst s1  }
0xa: {  	[smem:$0x3FAD] =	sst s2  }
0xb: {  	[smem:$0x3FAE] =	sst s3  }
0xc: {  	[smem:$0x3FAF] =	sst s4  }
0xd: {  	[smem:$0x3FB0] =	sst s5  }
0xe: {  	[smem:$0x3FB1] =	sst s6  }
0xf: {  	[smem:$0x3FB2] =	sst s7  }
0x10: {  	[smem:$0x3FB3] =	sst s8  }
0x11: {  	[smem:$0x3FB4] =	sst s9;
	s0 =	simm.s32 @!p0 $0x0  }
0x12: {  	s1 =	sld [smem:$0x3F9A];
	s0 =	simm.s32 @p0 $0x1  }
0x13: {  	[smem:$0x3FB5] =	sst s0;
	s0 =	simm.s32 @!p1 $0x0  }
0x14: {  	s2 =	sld [smem:$0x3F99];
	s0 =	simm.s32 @p1 $0x1  }
0x15: {  	[smem:$0x3FB6] =	sst s0;
	s0 =	simm.s32 @!p2 $0x0  }
0x16: {  	s3 =	sld [smem:$0x3FDB];
	s0 =	simm.s32 @p2 $0x1  }
0x17: {  	s4 =	simm.s32 $0x1BF5;
	[smem:$0x3FB8] =	sst s0  }
0x18: {  	s0 =	sld [smem:$0x3F9B];
	_ =	swait.ge [sflag:s4], $0x0  }
0x19: {  	s7 =	sld [smem:$0x3F9C]  }
0x1a: {  	s8 =	sadd.s32 $0xFFFFE003, lr  }
0x1b: {  	s9 =	sadd.s32 $0xFFFFFEF7, lr;
	s5 =	simm.s32 $0xFFFFFFFF;
	p2 =	slt.u32 s8, $0xFFFFF086  }
0x1c: {  	p1 =	slt.u32 s9, $0xF7A;
	s5 =	simm.s32 @!p2 $0x0  }
0x1d: {  	s5 =	simm.s32 @p1 $0x1;
	p0 =	seq.s32 s7, s2  }
0x1e: {  	s7 =	smul.u32 @!p0 $0xF7A, s2;
	p2 =	seq.s32 @!p0 s5, $0x0  }
0x1f: {  	s9 =	smul.u32 $0xF7A, s1;
	s8 =	simm.s32 @!p0 $0x1BF5;
	p2 =	por !p2, p0  }
0x20: {  	[sflag:s8] =	ssyncset.s32 @!p0 $0xFFFFF086;
	s6 =	sadd.s32 @!p0 s3, s7;
	s7 =	simm.s32 @!p0 $0x108  }
0x21: {  	s3 =	sadd.s32 s3, s9;
	s6 =	sadd.s32 @!p0 $0x88, s6;
	s7 =	simm.s32 @p2 $0x1082  }
0x22: {  	[simem:s7], [sflag:s8] =	dma.local @!p0 [hbm:s6], $0xF7A  }
0x23: {  	s9 =	sor.u32 $0xD0000000, s2;
	s6 =	simm.s32 $0x108;
	_ =	swait.ge @!p0 [sflag:s8], $0x0  }
0x24: {  	s3 =	sadd.s32 $0x88, s3;
	s6 =	simm.s32 @!p1 $0x1082;
	[sflag:s4] =	ssyncset.s32 $0xFFFFF086  }
0x25: {  	[simem:s6], [sflag:s4] =	dma.local [hbm:s3], $0xF7A  }
0x26: {  	[smem:$0x3F9C] =	sst s1;
	(tag) =	ssettag s2;
	_ =	strace s9  }
0x27: {  	s1 =	sld [smem:$0x3FAC]  }
0x28: {  	s2 =	sld [smem:$0x3FAD]  }
0x29: {  	s4 =	sld [smem:$0x3FAF]  }
0x2a: {  	p0 =	seq.s32 s5, $0x0;
	s5 =	sld [smem:$0x3FB0]  }
0x2b: {  	s6 =	sld [smem:$0x3FB1]  }
0x2c: {  	s7 =	sld [smem:$0x3FB2]  }
0x2d: {  	s3 =	simm.s32 $0x108;
	s8 =	sld [smem:$0x3FB3]  }
0x2e: {  	s3 =	simm.s32 @!p0 $0x1082;
	s9 =	sld [smem:$0x3FB4]  }
0x2f: {  	lr =	sadd.s32 s0, s3;
	s0 =	sld [smem:$0x3FAB]  }
0x30: {  	s3 =	sld [smem:$0x3FAE]  }
0x31: {  	[smem:$0x3FB7] =	sst s10  }
0x32: {  	s10 =	sld [smem:$0x3FB5];
	_ =	sdelay $0x3  }
0x33: {  	p0 =	seq.s32 s10, $0x1;
	s10 =	sld [smem:$0x3FB7];
	_ =	sdelay $0x3  }
0x34: {  	[smem:$0x3FB7] =	sst s10  }
0x35: {  	s10 =	sld [smem:$0x3FB6];
	_ =	sdelay $0x3  }
0x36: {  	p1 =	seq.s32 s10, $0x1;
	s10 =	sld [smem:$0x3FB7];
	_ =	sdelay $0x3  }
0x37: {  	[smem:$0x3FB7] =	sst s10  }
0x38: {  	s10 =	sld [smem:$0x3FB8]  }
0x39: {  	_ = 	snop;
	(pc) =	sbr.ind lr, $3  }
0x3a: {  	_ = 	snop  }
0x3b: {  	_ = 	snop  }
0x3c: {  	p2 =	seq.s32 s10, $0x1;
	s10 =	sld [smem:$0x3FB7]  }
0x3d: {  	_ =	shalt  }
0x3e: {  	_ =	shalt  }
0x3f: {  	_ =	shalt  }
0x40: {  	_ =	shalt  }
0x41: {  	_ =	shalt  }
0x42: {  	_ =	shalt  }
0x43: {  	_ =	shalt  }
0x44: {  	_ =	shalt  }
0x45: {  	_ =	shalt  }
0x46: {  	_ =	shalt  }
0x47: {  	_ =	shalt  }
0x48: {  	_ =	shalt  }
0x49: {  	_ =	shalt  }
0x4a: {  	_ =	shalt  }
0x4b: {  	_ =	shalt  }
0x4c: {  	_ =	shalt  }
0x4d: {  	_ =	shalt  }
0x4e: {  	_ =	shalt  }
0x4f: {  	_ =	shalt  }
0x50: {  	_ =	shalt  }
0x51: {  	_ =	shalt  }
0x52: {  	_ =	shalt  }
0x53: {  	_ =	shalt  }
0x54: {  	_ =	shalt  }
0x55: {  	_ =	shalt  }
0x56: {  	_ =	shalt  }
0x57: {  	_ =	shalt  }
0x58: {  	_ =	shalt  }
0x59: {  	_ =	shalt  }
0x5a: {  	_ =	shalt  }
0x5b: {  	_ =	shalt  }
0x5c: {  	_ =	shalt  }
0x5d: {  	_ =	shalt  }
0x5e: {  	_ =	shalt  }
0x5f: {  	_ =	shalt  }
0x60: {  	_ =	shalt  }
0x61: {  	_ =	shalt  }
0x62: {  	_ =	shalt  }
0x63: {  	_ =	shalt  }
0x64: {  	_ =	shalt  }
0x65: {  	_ =	shalt  }
0x66: {  	_ =	shalt  }
0x67: {  	_ =	shalt  }
0x68: {  	_ =	shalt  }
0x69: {  	_ =	shalt  }
0x6a: {  	_ =	shalt  }
0x6b: {  	_ =	shalt  }
0x6c: {  	_ =	shalt  }
0x6d: {  	_ =	shalt  }
0x6e: {  	_ =	shalt  }
0x6f: {  	_ =	shalt  }
0x70: {  	_ =	shalt  }
0x71: {  	_ =	shalt  }
0x72: {  	_ =	shalt  }
0x73: {  	_ =	shalt  }
0x74: {  	_ =	shalt  }
0x75: {  	_ =	shalt  }
0x76: {  	_ =	shalt  }
0x77: {  	_ =	shalt  }
0x78: {  	_ =	shalt  }
0x79: {  	_ =	shalt  }
0x7a: {  	_ =	shalt  }
0x7b: {  	_ =	shalt  }
0x7c: {  	_ =	shalt  }
0x7d: {  	_ =	shalt  }
0x7e: {  	_ =	shalt  }
0x7f: {  	_ =	shalt  }
0x80: {  	_ =	shalt  }
0x81: {  	_ =	shalt  }
0x82: {  	_ =	shalt  }
0x83: {  	_ =	shalt  }
0x84: {  	_ =	shalt  }
0x85: {  	_ =	shalt  }
0x86: {  	_ =	shalt  }
0x87: {  	_ =	shalt  }
.Lfunc_end0:
.L_simem_size_0:
called_computation_lowered:
.L_overlay_start_0:
0x88: {  	s2 =	sld [smem:$0x3FD9]  }
0x89: {  	s3 =	sld [smem:$0x3FFE];
	_ =	sdelay $0x1  }
0x8a: {  	s1 =	srdreg.scid  }
0x8b: {  	s0 =	sand.u32 $0x1, s1  }
0x8c: {  	s14 =	sshll.u32 s0, $0xA;
	s2 =	sadd.s32 s3, s2  }
0x8d: {  	s2 =	sadd.s32 s2, s14  }
0x8e: {  	[smem:$0x3FC3] =	sst s2  }
0x8f: {  	_ = 	snop  }
0x90: {  	s2 =	sld [smem:$0x3FD0];
	_ =	sdelay $0x2  }
0x91: {  	s4 =	simm.s32 $0xA;
	s5 =	simm.s32 $0x10;
	s15 =	sld [smem:$0x3FC5]  }
0x92: {  	[smem:s5], [sflag:s4] =	dma.local [hbm:s2], $0x1  }
0x93: {  	_ =	swait.eq [sflag:s4], $0x1  }
0x94: {  	[sflag:s4] =	ssyncset.done $0x0  }
0x95: {  	[sflag:s4] =	ssyncadd.s32 $0xFFFFFFFF  }
0x96: {  	s16 =	sld [smem:$0x10];
	(tm) =	ssettm $0x1  }
0x97: {  	s17 =	sld [smem:$0x3FFB];
	_ =	sdelay $0x3  }
0x98: {  	_ =	strace s17  }
0x99: {  	s4 =	sld [smem:$0x3FFC];
	_ =	sdelay $0x3  }
0x9a: {  	_ =	strace s4  }
0x9b: {  	s4 =	sld [smem:$0x3FFD];
	_ =	sdelay $0x3  }
0x9c: {  	_ =	strace s4  }
0x9d: {  	_ =	strace $0x8FFFFFFF  }
0x9e: {  	s18 =	sld [smem:$0x3FDB];
	_ =	sdelay $0x1  }
0x9f: {  	s19 =	simm.s32 $_scs_section_size  }
0xa0: {  	s6 =	simm.s32 $_size__tile_overlayer_lowered;
	s7 =	simm.s32 $_tile_overlayer_lowered  }
0xa1: {  	s22 =	simm.s32 $0x1BFF;
	s21 =	sshll.u32 s7, $0x1;
	s4 =	sadd.s32 s19, s18  }
0xa2: {  	s8 =	simm.s32 $0x0;
	s20 =	sshll.u32 s6, $0x1;
	s6 =	sadd.s32 s21, s4  }
0xa3: {  	[timem:s8], [sflag:s22] =	dma.local [hbm:s6], s20  }
0xa4: {  	_ =	swait.ge [sflag:s22], s20  }
0xa5: {  	s5 =	ssub.s32 $0x0, s20;
	[sflag:s22] =	ssyncset.done $0x0  }
0xa6: {  	[sflag:s22] =	ssyncadd.s32 s5;
	_ =	sdelay $0x1  }
0xa7: {  	s23 =	simm.s32 $0x1B8B  }
0xa8: {  	_ =	swait.ge [sflag:s23], $0x1  }
0xa9: {  	[sflag:s23] =	ssyncset.done $0x0  }
0xaa: {  	s25 =	simm.s32 $0x1B8E;
	s24 =	sld [smem:$0x3FFE];
	[sflag:s23] =	ssyncadd.s32 $0xFFFFFFFF  }
0xab: {  	s26 =	simm.s32 $execute0_lowered;
	[smem:$0x3FD2] =	sst s25  }
0xac: {  	s6 =	sshll.u32 s26, $0x1;
	_ =	strace $0x80000046;
	[dreg:$0x1] =	wrdreg $0xFFFFFFFF  }
0xad: {  	s28 =	simm.s32 $_size_execute0_lowered;
	s4 =	sadd.s32 s4, s6;
	[dreg:$0x0] =	wrdreg $0x0  }
0xae: {  	s6 =	sshll.u32 s28, $0x1;
	[dreg:$0x2] =	wrdreg s4  }
0xaf: {  	[dreg:$0x3] =	wrdreg s6  }
0xb0: {  	[dreg:$0x4] =	wrdreg $0xC0  }
0xb1: {  	_ =	task [dreg:s8], $0x5FFFF  }
0xb2: {  	[dreg:$0x1] =	wrdreg $0xFFFFFFFF  }
0xb3: {  	[dreg:$0x0] =	wrdreg $0x60  }
0xb4: {  	[dreg:$0x2] =	wrdreg s16  }
0xb5: {  	[dreg:$0x3] =	wrdreg s24  }
0xb6: {  	[dreg:$0x4] =	wrdreg s15  }
0xb7: {  	[dreg:$0x5] =	wrdreg $0x9  }
0xb8: {  	_ =	task.clear_ibuf [dreg:s8], $0x6FFFF;
	_ =	strace $0x90000046  }
0xb9: {  	s29 =	simm.s32 $0x9;
	_ =	strace $0x80000048  }
0xba: {  	_ =	swait.ge [sflag:s29], $0x1  }
0xbb: {  	[sflag:s29] =	ssyncadd.s32 $0xFFFFFFFF  }
0xbc: {  	_ =	strace $0x90000048  }
0xbd: {  	_ =	sfence  }
0xbe: {  	s30 =	sld [smem:$0x0];
	_ =	sdelay $0x2  }
0xbf: {  	s31 =	sshll.u32 s1, $0xD;
	s1 =	sshrl.u32 s1, $0x2  }
0xc0: {  	s3 =	sand.u32 $0x4000, s31;
	s1 =	sadd.s32 s1, s30  }
0xc1: {  	s0 =	sor.u32 s3, s0;
	s1 =	sshll.u32 s1, $0x11  }
0xc2: {  	s0 =	sor.u32 s1, s0  }
0xc3: {  	s0 =	sadd.s32 $0x8F2B, s0  }
0xc4: {  	[sflag:s0] =	ssyncadd.remote.s32 $0x1  }
0xc5: {  	_ =	sfence.sel $0xFFFF  }
0xc6: {  	[dreg:$0x0] =	wrdreg $0xFFFFFFFF;
	(pc) =	sbr.abs _section_cstart, $3  }
0xc7: {  	[dreg:$0x1] =	wrdreg $0xFFFFFFFF  }
0xc8: {  	_ =	task.clear_ibuf [dreg:s8], $0x2FFFF;
	_ =	strace $0x9FFFFFFF  }
0xc9: {  	(tm) =	ssettm $0x7FFFFFFF  }
tec
execute0_lowered:
.L_overlay_start_1:
0x0: {  	(tag) =	ssettag $0x1  }
0x1: {  	s6 =	rddreg [dreg:$0x0]  }
0x2: {  	s7 =	rddreg [dreg:$0x1]  }
0x3: {  	s1 =	rddreg [dreg:$0x2];
	s2 =	simm.s32 $0x0;
	s8 =	srdreg.scid  }
0x4: {  	s0 =	stileid.u32;
	s17 =	simm.s32 $0x1;
	s18 =	simm.s32 $0x80  }
0x5: {  	s19 =	simm.s32 $0x2080;
	s20 =	simm.s32 $0x880;
	s21 =	simm.s32 $0x2880  }
0x6: {  	s22 =	simm.s32 $0x1080;
	s23 =	simm.s32 $0x3080;
	s24 =	simm.s32 $0x1880  }
0x7: {  	s25 =	simm.s32 $0x3880;
	s26 =	simm.s32 $0x0;
	[smem:$0x7FF] =	sst s2  }
0x8: {  	s4 =	sadd.s32 $0xA8E00, s7;
	s5 =	sadd.s32 $0x2200, s7;
	s8 =	sand.u32 $0x1, s8  }
0x9: {  	s9 =	sadd.s32 $0x9800, s7;
	s10 =	sshll.u32 s0, $0x5;
	s13 =	sadd.s32 $0xC000, s7  }
0xa: {  	v0 =	vlaneseq.u32;
	s14 =	sadd.s32 $0x12000, s7;
	_ =	strace $0x80000047;
	s11 =	sshll.u32 s8, $0x4  }
0xb: {  	v1 =	vor.u32 $0x10, v0;
	v2 =	vor.u32 $0x20, v0;
	[dreg:$0x4] =	wrdreg s9;
	s8 =	ssub.s32 $0x2, s8;
	s29 =	sor.u32 s11, s10  }
0xc: {  	v3 =	vor.u32 $0x30, v0;
	v5 =	vor.u32 $0x1BC560, v0;
	v6 =	vor.u32 $0x1BC570, v0;
	s31 =	sshrl.u32 s8, $0x1;
	s10 =	sshll.u32 s29, $0x4;
	s9 =	sshrl.u32 s29, $0x3  }
0xd: {  	v7 =	vor.u32 $0x1BC580, v0;
	v8 =	vor.u32 $0x1BC590, v0;
	v9 =	vor.u32 $0x1BC5A0, v0;
	s15 =	ssub.s32 s8, s31;
	s30 =	sadd.s32 s10, s7;
	s6 =	sadd.s32 s6, s9  }
0xe: {  	vm0 =	vmmov $0xffff;
	v10 =	vadd.s32 $0x1BC5AB, v0;
	v11 =	vor.u32 $0x378AC0, v0;
	s7 =	sadd.s32 s13, s10;
	s12 =	sor.u32 $0x2000, s10;
	s16 =	sor.u32 $0x4000, s10  }
0xf: {  	v4 =	vor.u32 $0x40, v0;
	v12 =	vor.u32 $0x378AD0, v0;
	v13 =	vor.u32 $0x378AE0, v0;
	s9 =	sadd.s32 s14, s10;
	s15 =	smax.u32 s15, $0x1;
	s8 =	sadd.s32 $0x18000, s30  }
0x10: {  	v14 =	vor.u32 $0x378AF0, v0;
	v15 =	vadd.s32 $0x4B, v0;
	v16 =	vor.u32 $0x378B00, v0;
	s10 =	sadd.s32 s13, s12;
	s11 =	sadd.s32 $0x1A000, s30;
	s12 =	sadd.s32 s14, s12  }
0x11: {  	v17 =	vor.u32 $0x13880, v0;
	v18 =	vadd.s32 $0x378B0B, v0;
	v19 =	vor.u32 $0x27100, v0;
	s13 =	sadd.s32 s13, s16;
	s14 =	sadd.s32 s14, s16;
	s16 =	simm.s32 $0x2  }
.LBB2_1:
0x12: {  	v20 =	vmov s2  }
0x13: {  	[tilespmem:s2], [sflag:$0x2] =	stream.linear.gather [hbm4b:s6+s2], $0x10, $0x38;
	[tilespmem:$0x4080] =	vst v63  }
0x14: {  	_ =	swait.ge [sflag:s16], $0x10  }
0x15: {  	[sflag:s16] =	ssyncset.done $0x0  }
0x16: {  	[sflag:s16] =	ssyncadd.s32 $0xFFFFFFF0  }
0x17: {  	v20 =	vld.idx.msk [tilespmem:v20+s2+$0x0], $0xffff;
	_ =	sdelay $0x4  }
0x18: {  	v21 =	vmul.u32 $0x5B, v20;
	_ =	sdelay $0x1  }
0x19: {  	v22 =	vadd.s32 v0, v21;
	_ =	sdelay $0x1  }
0x1a: {  	v23 =	vadd.s32 v1, v21;
	_ =	sdelay $0x1  }
0x1b: {  	s28 =	simm.s32 $0x80;
	v24 =	vadd.s32 v2, v21  }
0x1c: {  	[tilespmem:s28], [sflag:$0x1] =	stream.indirect_vreg.gather [hbm4b:s4+s2], $0x1, v22, vm0, $0xb8;
	[tilespmem:$0x4080] =	vst v63  }
0x1d: {  	v25 =	vadd.s32 v3, v21;
	s28 =	simm.s32 $0x90  }
0x1e: {  	[tilespmem:s28], [sflag:$0x1] =	stream.indirect_vreg.gather [hbm4b:s4+s2], $0x1, v23, vm0, $0xb8;
	[tilespmem:$0x4080] =	vst v63  }
0x1f: {  	v26 =	vadd.s32 v4, v21;
	s28 =	simm.s32 $0xA0  }
0x20: {  	[tilespmem:s28], [sflag:$0x1] =	stream.indirect_vreg.gather [hbm4b:s4+s2], $0x1, v24, vm0, $0xb8;
	[tilespmem:$0x4080] =	vst v63  }
0x21: {  	v27 =	vadd.s32 v15, v21;
	s28 =	simm.s32 $0xB0  }
0x22: {  	v20 =	vshll.u32 v20, $0x2;
	[tilespmem:s28], [sflag:$0x1] =	stream.indirect_vreg.gather [hbm4b:s4+s2], $0x1, v25, vm0, $0xb8;
	[tilespmem:$0x4080] =	vst v63  }
0x23: {  	v28 =	vadd.s32 v0, v20;
	s28 =	simm.s32 $0xC0  }
0x24: {  	[tilespmem:s28], [sflag:$0x1] =	stream.indirect_vreg.gather [hbm4b:s4+s2], $0x1, v26, vm0, $0xb8;
	[tilespmem:$0x4080] =	vst v63  }
0x25: {  	v29 =	vadd.s32 v5, v21;
	s28 =	simm.s32 $0xCB  }
0x26: {  	[tilespmem:s28], [sflag:$0x1] =	stream.indirect_vreg.gather [hbm4b:s4+s2], $0x1, v27, vm0, $0xb8;
	[tilespmem:$0x4080] =	vst v63  }
0x27: {  	v30 =	vadd.s32 v6, v21;
	s28 =	simm.s32 $0x2080  }
0x28: {  	[tilespmem:s28], [sflag:$0x1] =	stream.indirect_vreg.gather [hbm4b:s5+s2], $0x1, v28, vm0, $0xb8;
	[tilespmem:$0x4080] =	vst v63  }
0x29: {  	v31 =	vadd.s32 v7, v21;
	s28 =	simm.s32 $0x880  }
0x2a: {  	[tilespmem:s28], [sflag:$0x1] =	stream.indirect_vreg.gather [hbm4b:s4+s2], $0x1, v29, vm0, $0xb8;
	[tilespmem:$0x4080] =	vst v63  }
0x2b: {  	v55 =	vadd.s32 v8, v21;
	s28 =	simm.s32 $0x890  }
0x2c: {  	[tilespmem:s28], [sflag:$0x1] =	stream.indirect_vreg.gather [hbm4b:s4+s2], $0x1, v30, vm0, $0xb8;
	[tilespmem:$0x4080] =	vst v63  }
0x2d: {  	v56 =	vadd.s32 v9, v21;
	s28 =	simm.s32 $0x8A0  }
0x2e: {  	[tilespmem:s28], [sflag:$0x1] =	stream.indirect_vreg.gather [hbm4b:s4+s2], $0x1, v31, vm0, $0xb8;
	[tilespmem:$0x4080] =	vst v63  }
0x2f: {  	v57 =	vadd.s32 v10, v21;
	s28 =	simm.s32 $0x8B0  }
0x30: {  	[tilespmem:s28], [sflag:$0x1] =	stream.indirect_vreg.gather [hbm4b:s4+s2], $0x1, v55, vm0, $0xb8;
	[tilespmem:$0x4080] =	vst v63  }
0x31: {  	v58 =	vadd.s32 v17, v20;
	s28 =	simm.s32 $0x8C0  }
0x32: {  	[tilespmem:s28], [sflag:$0x1] =	stream.indirect_vreg.gather [hbm4b:s4+s2], $0x1, v56, vm0, $0xb8;
	[tilespmem:$0x4080] =	vst v63  }
0x33: {  	v59 =	vadd.s32 v11, v21;
	s28 =	simm.s32 $0x8CB  }
0x34: {  	[tilespmem:s28], [sflag:$0x1] =	stream.indirect_vreg.gather [hbm4b:s4+s2], $0x1, v57, vm0, $0xb8;
	[tilespmem:$0x4080] =	vst v63  }
0x35: {  	v60 =	vadd.s32 v12, v21;
	s28 =	simm.s32 $0x2880  }
0x36: {  	[tilespmem:s28], [sflag:$0x1] =	stream.indirect_vreg.gather [hbm4b:s5+s2], $0x1, v58, vm0, $0xb8;
	[tilespmem:$0x4080] =	vst v63  }
0x37: {  	v61 =	vadd.s32 v13, v21;
	s28 =	simm.s32 $0x1080  }
0x38: {  	[tilespmem:s28], [sflag:$0x1] =	stream.indirect_vreg.gather [hbm4b:s4+s2], $0x1, v59, vm0, $0xb8;
	[tilespmem:$0x4080] =	vst v63  }
0x39: {  	v62 =	vadd.s32 v14, v21;
	s28 =	simm.s32 $0x1090  }
0x3a: {  	[tilespmem:s28], [sflag:$0x1] =	stream.indirect_vreg.gather [hbm4b:s4+s2], $0x1, v60, vm0, $0xb8;
	[tilespmem:$0x4080] =	vst v63  }
0x3b: {  	v63 =	vadd.s32 v16, v21;
	s28 =	simm.s32 $0x10A0  }
0x3c: {  	[tilespmem:s28], [sflag:$0x1] =	stream.indirect_vreg.gather [hbm4b:s4+s2], $0x1, v61, vm0, $0xb8;
	[tilespmem:$0x4080] =	vst v63  }
0x3d: {  	v21 =	vadd.s32 v18, v21;
	s28 =	simm.s32 $0x10B0  }
0x3e: {  	[tilespmem:s28], [sflag:$0x1] =	stream.indirect_vreg.gather [hbm4b:s4+s2], $0x1, v62, vm0, $0xb8;
	[tilespmem:$0x4080] =	vst v63  }
0x3f: {  	v20 =	vadd.s32 v19, v20;
	s28 =	simm.s32 $0x10C0  }
0x40: {  	[tilespmem:s28], [sflag:$0x1] =	stream.indirect_vreg.gather [hbm4b:s4+s2], $0x1, v63, vm0, $0xb8;
	[tilespmem:$0x4080] =	vst v63  }
0x41: {  	s28 =	simm.s32 $0x10CB  }
0x42: {  	[tilespmem:s28], [sflag:$0x1] =	stream.indirect_vreg.gather [hbm4b:s4+s2], $0x1, v21, vm0, $0xb8;
	[tilespmem:$0x4080] =	vst v63  }
0x43: {  	s28 =	simm.s32 $0x3080  }
0x44: {  	[tilespmem:s28], [sflag:$0x1] =	stream.indirect_vreg.gather [hbm4b:s5+s2], $0x1, v20, vm0, $0xb8;
	[tilespmem:$0x4080] =	vst v63  }
0x45: {  	s28 =	simm.s32 $0x1880  }
0x46: {  	[tilespmem:s28], [sflag:$0x1] =	stream.indirect_vreg.gather [hbm4b:s1+s2], $0x1, v22, vm0, $0xb8;
	[tilespmem:$0x4080] =	vst v63  }
0x47: {  	s28 =	simm.s32 $0x1890  }
0x48: {  	[tilespmem:s28], [sflag:$0x1] =	stream.indirect_vreg.gather [hbm4b:s1+s2], $0x1, v23, vm0, $0xb8;
	[tilespmem:$0x4080] =	vst v63  }
0x49: {  	s28 =	simm.s32 $0x18A0  }
0x4a: {  	[tilespmem:s28], [sflag:$0x1] =	stream.indirect_vreg.gather [hbm4b:s1+s2], $0x1, v24, vm0, $0xb8;
	[tilespmem:$0x4080] =	vst v63  }
0x4b: {  	s28 =	simm.s32 $0x18B0  }
0x4c: {  	[tilespmem:s28], [sflag:$0x1] =	stream.indirect_vreg.gather [hbm4b:s1+s2], $0x1, v25, vm0, $0xb8;
	[tilespmem:$0x4080] =	vst v63  }
0x4d: {  	s28 =	simm.s32 $0x18C0  }
0x4e: {  	[tilespmem:s28], [sflag:$0x1] =	stream.indirect_vreg.gather [hbm4b:s1+s2], $0x1, v26, vm0, $0xb8;
	[tilespmem:$0x4080] =	vst v63  }
0x4f: {  	s28 =	simm.s32 $0x18CB  }
0x50: {  	[tilespmem:s28], [sflag:$0x1] =	stream.indirect_vreg.gather [hbm4b:s1+s2], $0x1, v27, vm0, $0xb8;
	[tilespmem:$0x4080] =	vst v63  }
0x51: {  	s29 =	rddreg [dreg:$0x4];
	s28 =	simm.s32 $0x3880  }
0x52: {  	[tilespmem:s28], [sflag:$0x1] =	stream.indirect_vreg.gather [hbm4b:s29+s2], $0x1, v28, vm0, $0xb8;
	[tilespmem:$0x4080] =	vst v63  }
0x53: {  	_ =	swait.ge [sflag:s17], $0x10  }
0x54: {  	[sflag:s17] =	ssyncset.done $0x0  }
0x55: {  	[sflag:s17] =	ssyncadd.s32 $0xFFFFFFF0  }
0x56: {  	_ =	swait.ge [sflag:s17], $0x10  }
0x57: {  	[sflag:s17] =	ssyncset.done $0x0  }
0x58: {  	[sflag:s17] =	ssyncadd.s32 $0xFFFFFFF0  }
0x59: {  	_ =	swait.ge [sflag:s17], $0x10  }
0x5a: {  	[sflag:s17] =	ssyncset.done $0x0  }
0x5b: {  	[sflag:s17] =	ssyncadd.s32 $0xFFFFFFF0  }
0x5c: {  	_ =	swait.ge [sflag:s17], $0x10  }
0x5d: {  	[sflag:s17] =	ssyncset.done $0x0  }
0x5e: {  	[sflag:s17] =	ssyncadd.s32 $0xFFFFFFF0  }
0x5f: {  	_ =	swait.ge [sflag:s17], $0x10  }
0x60: {  	[sflag:s17] =	ssyncset.done $0x0  }
0x61: {  	[sflag:s17] =	ssyncadd.s32 $0xFFFFFFF0  }
0x62: {  	_ =	swait.ge [sflag:s17], $0x10  }
0x63: {  	[sflag:s17] =	ssyncset.done $0x0  }
0x64: {  	[sflag:s17] =	ssyncadd.s32 $0xFFFFFFF0  }
0x65: {  	_ =	swait.ge [sflag:s17], $0x10  }
0x66: {  	[sflag:s17] =	ssyncset.done $0x0  }
0x67: {  	[sflag:s17] =	ssyncadd.s32 $0xFFFFFFF0  }
0x68: {  	_ =	swait.ge [sflag:s17], $0x10  }
0x69: {  	[sflag:s17] =	ssyncset.done $0x0  }
0x6a: {  	[sflag:s17] =	ssyncadd.s32 $0xFFFFFFF0  }
0x6b: {  	_ =	swait.ge [sflag:s17], $0x10  }
0x6c: {  	[sflag:s17] =	ssyncset.done $0x0  }
0x6d: {  	[sflag:s17] =	ssyncadd.s32 $0xFFFFFFF0  }
0x6e: {  	_ =	swait.ge [sflag:s17], $0x10  }
0x6f: {  	[sflag:s17] =	ssyncset.done $0x0  }
0x70: {  	[sflag:s17] =	ssyncadd.s32 $0xFFFFFFF0  }
0x71: {  	_ =	swait.ge [sflag:s17], $0x10  }
0x72: {  	[sflag:s17] =	ssyncset.done $0x0  }
0x73: {  	[sflag:s17] =	ssyncadd.s32 $0xFFFFFFF0  }
0x74: {  	_ =	swait.ge [sflag:s17], $0x10  }
0x75: {  	[sflag:s17] =	ssyncset.done $0x0  }
0x76: {  	[sflag:s17] =	ssyncadd.s32 $0xFFFFFFF0  }
0x77: {  	_ =	swait.ge [sflag:s17], $0x10  }
0x78: {  	[sflag:s17] =	ssyncset.done $0x0  }
0x79: {  	[sflag:s17] =	ssyncadd.s32 $0xFFFFFFF0  }
0x7a: {  	_ =	swait.ge [sflag:s17], $0x10  }
0x7b: {  	[sflag:s17] =	ssyncset.done $0x0  }
0x7c: {  	[sflag:s17] =	ssyncadd.s32 $0xFFFFFFF0  }
0x7d: {  	_ =	swait.ge [sflag:s17], $0x10  }
0x7e: {  	[sflag:s17] =	ssyncset.done $0x0  }
0x7f: {  	[sflag:s17] =	ssyncadd.s32 $0xFFFFFFF0  }
0x80: {  	_ =	swait.ge [sflag:s17], $0x10  }
0x81: {  	[sflag:s17] =	ssyncset.done $0x0  }
0x82: {  	[sflag:s17] =	ssyncadd.s32 $0xFFFFFFF0  }
0x83: {  	_ =	swait.ge [sflag:s17], $0x10  }
0x84: {  	[sflag:s17] =	ssyncset.done $0x0  }
0x85: {  	[sflag:s17] =	ssyncadd.s32 $0xFFFFFFF0  }
0x86: {  	_ =	swait.ge [sflag:s17], $0x10  }
0x87: {  	[sflag:s17] =	ssyncset.done $0x0  }
0x88: {  	[sflag:s17] =	ssyncadd.s32 $0xFFFFFFF0  }
0x89: {  	_ =	swait.ge [sflag:s17], $0x10  }
0x8a: {  	[sflag:s17] =	ssyncset.done $0x0  }
0x8b: {  	[sflag:s17] =	ssyncadd.s32 $0xFFFFFFF0  }
0x8c: {  	_ =	swait.ge [sflag:s17], $0x10  }
0x8d: {  	[sflag:s17] =	ssyncset.done $0x0  }
0x8e: {  	[sflag:s17] =	ssyncadd.s32 $0xFFFFFFF0  }
0x8f: {  	_ =	swait.ge [sflag:s17], $0x10  }
0x90: {  	[sflag:s17] =	ssyncset.done $0x0  }
0x91: {  	[sflag:s17] =	ssyncadd.s32 $0xFFFFFFF0  }
0x92: {  	_ =	swait.ge [sflag:s17], $0x10  }
0x93: {  	[sflag:s17] =	ssyncset.done $0x0  }
0x94: {  	[sflag:s17] =	ssyncadd.s32 $0xFFFFFFF0  }
0x95: {  	_ =	swait.ge [sflag:s17], $0x10  }
0x96: {  	[sflag:s17] =	ssyncset.done $0x0  }
0x97: {  	[sflag:s17] =	ssyncadd.s32 $0xFFFFFFF0  }
0x98: {  	_ =	swait.ge [sflag:s17], $0x10  }
0x99: {  	[sflag:s17] =	ssyncset.done $0x0  }
0x9a: {  	[sflag:s17] =	ssyncadd.s32 $0xFFFFFFF0  }
0x9b: {  	_ =	swait.ge [sflag:s17], $0x10  }
0x9c: {  	[sflag:s17] =	ssyncset.done $0x0  }
0x9d: {  	[sflag:s17] =	ssyncadd.s32 $0xFFFFFFF0  }
0x9e: {  	_ =	swait.ge [sflag:s17], $0x10  }
0x9f: {  	[sflag:s17] =	ssyncset.done $0x0  }
0xa0: {  	[sflag:s17] =	ssyncadd.s32 $0xFFFFFFF0  }
0xa1: {  	_ =	swait.ge [sflag:s17], $0x10  }
0xa2: {  	[sflag:s17] =	ssyncset.done $0x0  }
0xa3: {  	[sflag:s17] =	ssyncadd.s32 $0xFFFFFFF0  }
0xa4: {  	s29 =	simm.s32 $0x1;
	_ =	swait.ge [sflag:s17], $0x10  }
0xa5: {  	s30 =	simm.s32 $0x400;
	s28 =	simm.s32 $0x200;
	v20 =	vmov s29;
	[sflag:s17] =	ssyncset.done $0x0  }
.LBB2_2:
0xa6: {  	_ =	sdelay $0x2  }
0xa7: {  	[sflag:s17] =	ssyncadd.s32 $0xFFFFFFF0  }
0xa8: {  	v20 =	vld.idx.msk [tilespmem:v20+s2+$0x0], $0xffff;
	_ =	sdelay $0x4  }
0xa9: {  	v21 =	vmul.u32 $0x5B, v20;
	_ =	sdelay $0x1  }
0xaa: {  	v22 =	vadd.s32 v0, v21;
	_ =	sdelay $0x1  }
0xab: {  	v23 =	vadd.s32 v1, v21  }
0xac: {  	s31 =	sshra.s32 s28, $0x2  }
0xad: {  	s3 =	sadd.s32 $0x80, s31;
	v24 =	vadd.s32 v2, v21  }
0xae: {  	[tilespmem:s3], [sflag:$0x1] =	stream.indirect_vreg.gather [hbm4b:s4+s2], $0x1, v22, vm0, $0xb8;
	[tilespmem:$0x4080] =	vst v63  }
0xaf: {  	v25 =	vadd.s32 v3, v21;
	s3 =	sadd.s32 $0x90, s31  }
0xb0: {  	[tilespmem:s3], [sflag:$0x1] =	stream.indirect_vreg.gather [hbm4b:s4+s2], $0x1, v23, vm0, $0xb8;
	[tilespmem:$0x4080] =	vst v63  }
0xb1: {  	v26 =	vadd.s32 v4, v21;
	s3 =	sadd.s32 $0xA0, s31  }
0xb2: {  	[tilespmem:s3], [sflag:$0x1] =	stream.indirect_vreg.gather [hbm4b:s4+s2], $0x1, v24, vm0, $0xb8;
	[tilespmem:$0x4080] =	vst v63  }
0xb3: {  	v27 =	vadd.s32 v15, v21;
	s3 =	sadd.s32 $0xB0, s31  }
0xb4: {  	v20 =	vshll.u32 v20, $0x2;
	[tilespmem:s3], [sflag:$0x1] =	stream.indirect_vreg.gather [hbm4b:s4+s2], $0x1, v25, vm0, $0xb8;
	[tilespmem:$0x4080] =	vst v63  }
0xb5: {  	v28 =	vadd.s32 v0, v20;
	s3 =	sadd.s32 $0xC0, s31  }
0xb6: {  	[tilespmem:s3], [sflag:$0x1] =	stream.indirect_vreg.gather [hbm4b:s4+s2], $0x1, v26, vm0, $0xb8;
	[tilespmem:$0x4080] =	vst v63  }
0xb7: {  	v29 =	vadd.s32 v5, v21;
	s3 =	sadd.s32 $0xCB, s31  }
0xb8: {  	[tilespmem:s3], [sflag:$0x1] =	stream.indirect_vreg.gather [hbm4b:s4+s2], $0x1, v27, vm0, $0xb8;
	[tilespmem:$0x4080] =	vst v63  }
0xb9: {  	v30 =	vadd.s32 v6, v21;
	s3 =	sadd.s32 $0x2080, s31  }
0xba: {  	[tilespmem:s3], [sflag:$0x1] =	stream.indirect_vreg.gather [hbm4b:s5+s2], $0x1, v28, vm0, $0xb8;
	[tilespmem:$0x4080] =	vst v63  }
0xbb: {  	v31 =	vadd.s32 v7, v21;
	s3 =	sadd.s32 $0x880, s31  }
0xbc: {  	[tilespmem:s3], [sflag:$0x1] =	stream.indirect_vreg.gather [hbm4b:s4+s2], $0x1, v29, vm0, $0xb8;
	[tilespmem:$0x4080] =	vst v63  }
0xbd: {  	v55 =	vadd.s32 v8, v21;
	s3 =	sadd.s32 $0x890, s31  }
0xbe: {  	[tilespmem:s3], [sflag:$0x1] =	stream.indirect_vreg.gather [hbm4b:s4+s2], $0x1, v30, vm0, $0xb8;
	[tilespmem:$0x4080] =	vst v63  }
0xbf: {  	v56 =	vadd.s32 v9, v21;
	s3 =	sadd.s32 $0x8A0, s31  }
0xc0: {  	[tilespmem:s3], [sflag:$0x1] =	stream.indirect_vreg.gather [hbm4b:s4+s2], $0x1, v31, vm0, $0xb8;
	[tilespmem:$0x4080] =	vst v63  }
0xc1: {  	v57 =	vadd.s32 v10, v21;
	s3 =	sadd.s32 $0x8B0, s31  }
0xc2: {  	[tilespmem:s3], [sflag:$0x1] =	stream.indirect_vreg.gather [hbm4b:s4+s2], $0x1, v55, vm0, $0xb8;
	[tilespmem:$0x4080] =	vst v63  }
0xc3: {  	v58 =	vadd.s32 v17, v20;
	s3 =	sadd.s32 $0x8C0, s31  }
0xc4: {  	[tilespmem:s3], [sflag:$0x1] =	stream.indirect_vreg.gather [hbm4b:s4+s2], $0x1, v56, vm0, $0xb8;
	[tilespmem:$0x4080] =	vst v63  }
0xc5: {  	v59 =	vadd.s32 v11, v21;
	s3 =	sadd.s32 $0x8CB, s31  }
0xc6: {  	[tilespmem:s3], [sflag:$0x1] =	stream.indirect_vreg.gather [hbm4b:s4+s2], $0x1, v57, vm0, $0xb8;
	[tilespmem:$0x4080] =	vst v63  }
0xc7: {  	v60 =	vadd.s32 v12, v21;
	s3 =	sadd.s32 $0x2880, s31  }
0xc8: {  	[tilespmem:s3], [sflag:$0x1] =	stream.indirect_vreg.gather [hbm4b:s5+s2], $0x1, v58, vm0, $0xb8;
	[tilespmem:$0x4080] =	vst v63  }
0xc9: {  	v61 =	vadd.s32 v13, v21;
	s3 =	sadd.s32 $0x1080, s31  }
0xca: {  	[tilespmem:s3], [sflag:$0x1] =	stream.indirect_vreg.gather [hbm4b:s4+s2], $0x1, v59, vm0, $0xb8;
	[tilespmem:$0x4080] =	vst v63  }
0xcb: {  	v62 =	vadd.s32 v14, v21;
	s3 =	sadd.s32 $0x1090, s31  }
0xcc: {  	[tilespmem:s3], [sflag:$0x1] =	stream.indirect_vreg.gather [hbm4b:s4+s2], $0x1, v60, vm0, $0xb8;
	[tilespmem:$0x4080] =	vst v63  }
0xcd: {  	v63 =	vadd.s32 v16, v21;
	s3 =	sadd.s32 $0x10A0, s31  }
0xce: {  	[tilespmem:s3], [sflag:$0x1] =	stream.indirect_vreg.gather [hbm4b:s4+s2], $0x1, v61, vm0, $0xb8;
	[tilespmem:$0x4080] =	vst v63  }
0xcf: {  	v21 =	vadd.s32 v18, v21;
	s3 =	sadd.s32 $0x10B0, s31  }
0xd0: {  	[tilespmem:s3], [sflag:$0x1] =	stream.indirect_vreg.gather [hbm4b:s4+s2], $0x1, v62, vm0, $0xb8;
	[tilespmem:$0x4080] =	vst v63  }
0xd1: {  	v20 =	vadd.s32 v19, v20;
	s3 =	sadd.s32 $0x10C0, s31  }
0xd2: {  	[tilespmem:s3], [sflag:$0x1] =	stream.indirect_vreg.gather [hbm4b:s4+s2], $0x1, v63, vm0, $0xb8;
	[tilespmem:$0x4080] =	vst v63  }
0xd3: {  	s3 =	sadd.s32 $0x10CB, s31  }
0xd4: {  	[tilespmem:s3], [sflag:$0x1] =	stream.indirect_vreg.gather [hbm4b:s4+s2], $0x1, v21, vm0, $0xb8;
	[tilespmem:$0x4080] =	vst v63  }
0xd5: {  	s3 =	sadd.s32 $0x3080, s31  }
0xd6: {  	[tilespmem:s3], [sflag:$0x1] =	stream.indirect_vreg.gather [hbm4b:s5+s2], $0x1, v20, vm0, $0xb8;
	[tilespmem:$0x4080] =	vst v63  }
0xd7: {  	s3 =	sadd.s32 $0x1880, s31  }
0xd8: {  	[tilespmem:s3], [sflag:$0x1] =	stream.indirect_vreg.gather [hbm4b:s1+s2], $0x1, v22, vm0, $0xb8;
	[tilespmem:$0x4080] =	vst v63  }
0xd9: {  	s3 =	sadd.s32 $0x1890, s31  }
0xda: {  	[tilespmem:s3], [sflag:$0x1] =	stream.indirect_vreg.gather [hbm4b:s1+s2], $0x1, v23, vm0, $0xb8;
	[tilespmem:$0x4080] =	vst v63  }
0xdb: {  	s3 =	sadd.s32 $0x18A0, s31  }
0xdc: {  	[tilespmem:s3], [sflag:$0x1] =	stream.indirect_vreg.gather [hbm4b:s1+s2], $0x1, v24, vm0, $0xb8;
	[tilespmem:$0x4080] =	vst v63  }
0xdd: {  	s3 =	sadd.s32 $0x18B0, s31  }
0xde: {  	[tilespmem:s3], [sflag:$0x1] =	stream.indirect_vreg.gather [hbm4b:s1+s2], $0x1, v25, vm0, $0xb8;
	[tilespmem:$0x4080] =	vst v63  }
0xdf: {  	s0 =	smov.u32 s30;
	s3 =	sadd.s32 $0x18C0, s31  }
0xe0: {  	[tilespmem:s3], [sflag:$0x1] =	stream.indirect_vreg.gather [hbm4b:s1+s2], $0x1, v26, vm0, $0xb8;
	[tilespmem:$0x4080] =	vst v63  }
0xe1: {  	s28 =	smov.u32 s0;
	s0 =	sadd.s32 $0x18CB, s31  }
0xe2: {  	[tilespmem:s0], [sflag:$0x1] =	stream.indirect_vreg.gather [hbm4b:s1+s2], $0x1, v27, vm0, $0xb8;
	[tilespmem:$0x4080] =	vst v63  }
0xe3: {  	s31 =	sadd.s32 $0x3880, s31;
	s3 =	rddreg [dreg:$0x4]  }
0xe4: {  	[tilespmem:s31], [sflag:$0x1] =	stream.indirect_vreg.gather [hbm4b:s3+s2], $0x1, v28, vm0, $0xb8;
	[tilespmem:$0x4080] =	vst v63  }
0xe5: {  	_ =	swait.ge [sflag:s17], $0x10  }
0xe6: {  	[sflag:s17] =	ssyncset.done $0x0  }
0xe7: {  	[sflag:s17] =	ssyncadd.s32 $0xFFFFFFF0  }
0xe8: {  	_ =	swait.ge [sflag:s17], $0x10  }
0xe9: {  	[sflag:s17] =	ssyncset.done $0x0  }
0xea: {  	[sflag:s17] =	ssyncadd.s32 $0xFFFFFFF0  }
0xeb: {  	_ =	swait.ge [sflag:s17], $0x10  }
0xec: {  	[sflag:s17] =	ssyncset.done $0x0  }
0xed: {  	[sflag:s17] =	ssyncadd.s32 $0xFFFFFFF0  }
0xee: {  	_ =	swait.ge [sflag:s17], $0x10  }
0xef: {  	[sflag:s17] =	ssyncset.done $0x0  }
0xf0: {  	[sflag:s17] =	ssyncadd.s32 $0xFFFFFFF0  }
0xf1: {  	_ =	swait.ge [sflag:s17], $0x10  }
0xf2: {  	[sflag:s17] =	ssyncset.done $0x0  }
0xf3: {  	[sflag:s17] =	ssyncadd.s32 $0xFFFFFFF0  }
0xf4: {  	_ =	swait.ge [sflag:s17], $0x10  }
0xf5: {  	[sflag:s17] =	ssyncset.done $0x0  }
0xf6: {  	[sflag:s17] =	ssyncadd.s32 $0xFFFFFFF0  }
0xf7: {  	_ =	swait.ge [sflag:s17], $0x10  }
0xf8: {  	[sflag:s17] =	ssyncset.done $0x0  }
0xf9: {  	[sflag:s17] =	ssyncadd.s32 $0xFFFFFFF0  }
0xfa: {  	_ =	swait.ge [sflag:s17], $0x10  }
0xfb: {  	[sflag:s17] =	ssyncset.done $0x0  }
0xfc: {  	[sflag:s17] =	ssyncadd.s32 $0xFFFFFFF0  }
0xfd: {  	_ =	swait.ge [sflag:s17], $0x10  }
0xfe: {  	[sflag:s17] =	ssyncset.done $0x0  }
0xff: {  	[sflag:s17] =	ssyncadd.s32 $0xFFFFFFF0  }
0x100: {  	_ =	swait.ge [sflag:s17], $0x10  }
0x101: {  	[sflag:s17] =	ssyncset.done $0x0  }
0x102: {  	[sflag:s17] =	ssyncadd.s32 $0xFFFFFFF0  }
0x103: {  	_ =	swait.ge [sflag:s17], $0x10  }
0x104: {  	[sflag:s17] =	ssyncset.done $0x0  }
0x105: {  	[sflag:s17] =	ssyncadd.s32 $0xFFFFFFF0  }
0x106: {  	_ =	swait.ge [sflag:s17], $0x10  }
0x107: {  	[sflag:s17] =	ssyncset.done $0x0  }
0x108: {  	[sflag:s17] =	ssyncadd.s32 $0xFFFFFFF0  }
0x109: {  	_ =	swait.ge [sflag:s17], $0x10  }
0x10a: {  	[sflag:s17] =	ssyncset.done $0x0  }
0x10b: {  	[sflag:s17] =	ssyncadd.s32 $0xFFFFFFF0  }
0x10c: {  	_ =	swait.ge [sflag:s17], $0x10  }
0x10d: {  	[sflag:s17] =	ssyncset.done $0x0  }
0x10e: {  	[sflag:s17] =	ssyncadd.s32 $0xFFFFFFF0  }
0x10f: {  	_ =	swait.ge [sflag:s17], $0x10  }
0x110: {  	[sflag:s17] =	ssyncset.done $0x0  }
0x111: {  	[sflag:s17] =	ssyncadd.s32 $0xFFFFFFF0  }
0x112: {  	_ =	swait.ge [sflag:s17], $0x10  }
0x113: {  	[sflag:s17] =	ssyncset.done $0x0  }
0x114: {  	[sflag:s17] =	ssyncadd.s32 $0xFFFFFFF0  }
0x115: {  	_ =	swait.ge [sflag:s17], $0x10  }
0x116: {  	[sflag:s17] =	ssyncset.done $0x0  }
0x117: {  	[sflag:s17] =	ssyncadd.s32 $0xFFFFFFF0  }
0x118: {  	_ =	swait.ge [sflag:s17], $0x10  }
0x119: {  	[sflag:s17] =	ssyncset.done $0x0  }
0x11a: {  	[sflag:s17] =	ssyncadd.s32 $0xFFFFFFF0  }
0x11b: {  	_ =	swait.ge [sflag:s17], $0x10  }
0x11c: {  	[sflag:s17] =	ssyncset.done $0x0  }
0x11d: {  	[sflag:s17] =	ssyncadd.s32 $0xFFFFFFF0  }
0x11e: {  	_ =	swait.ge [sflag:s17], $0x10  }
0x11f: {  	[sflag:s17] =	ssyncset.done $0x0  }
0x120: {  	[sflag:s17] =	ssyncadd.s32 $0xFFFFFFF0  }
0x121: {  	_ =	swait.ge [sflag:s17], $0x10  }
0x122: {  	[sflag:s17] =	ssyncset.done $0x0  }
0x123: {  	[sflag:s17] =	ssyncadd.s32 $0xFFFFFFF0  }
0x124: {  	_ =	swait.ge [sflag:s17], $0x10  }
0x125: {  	[sflag:s17] =	ssyncset.done $0x0  }
0x126: {  	[sflag:s17] =	ssyncadd.s32 $0xFFFFFFF0  }
0x127: {  	_ =	swait.ge [sflag:s17], $0x10  }
0x128: {  	[sflag:s17] =	ssyncset.done $0x0  }
0x129: {  	[sflag:s17] =	ssyncadd.s32 $0xFFFFFFF0  }
0x12a: {  	_ =	swait.ge [sflag:s17], $0x10  }
0x12b: {  	[sflag:s17] =	ssyncset.done $0x0  }
0x12c: {  	[sflag:s17] =	ssyncadd.s32 $0xFFFFFFF0  }
0x12d: {  	_ =	swait.ge [sflag:s17], $0x10  }
0x12e: {  	[sflag:s17] =	ssyncset.done $0x0  }
0x12f: {  	[sflag:s17] =	ssyncadd.s32 $0xFFFFFFF0  }
0x130: {  	_ =	swait.ge [sflag:s17], $0x10  }
0x131: {  	[sflag:s17] =	ssyncset.done $0x0  }
0x132: {  	p0 =	sne.s32 s30, $0x1E00;
	[sflag:s17] =	ssyncadd.s32 $0xFFFFFFF0  }
.Ltmp0:
0x133: {  	_ =	swait.ge [sflag:s17], $0x10;
	(pc) =	sbr.rel @p0 .LBB2_2-.Ltmp0, $4  }
0x134: {  	[sflag:s17] =	ssyncset.done $0x0  }
0x135: {  	[sflag:s17] =	ssyncadd.s32 $0xFFFFFFF0  }
0x136: {  	s29 =	sadd.s32 $0x1, s29;
	_ =	swait.ge [sflag:s17], $0x10  }
0x137: {  	s30 =	sadd.s32 $0x200, s30;
	v20 =	vmov s29;
	[sflag:s17] =	ssyncset.done $0x0  }
0x138: {  	_ =	sdelay $0x2  }
0x139: {  	[sflag:s17] =	ssyncadd.s32 $0xFFFFFFF0  }
0x13a: {  	v20 =	vld.idx.msk [tilespmem:v20+s2+$0x0], $0xffff;
	_ =	sdelay $0x4  }
0x13b: {  	v21 =	vmul.u32 $0x5B, v20;
	_ =	sdelay $0x1  }
0x13c: {  	v22 =	vadd.s32 v0, v21;
	_ =	sdelay $0x1  }
0x13d: {  	v23 =	vadd.s32 v1, v21  }
0x13e: {  	s28 =	sshra.s32 s28, $0x2  }
0x13f: {  	s0 =	sadd.s32 $0x80, s28;
	v24 =	vadd.s32 v2, v21  }
0x140: {  	[tilespmem:s0], [sflag:$0x1] =	stream.indirect_vreg.gather [hbm4b:s4+s2], $0x1, v22, vm0, $0xb8;
	[tilespmem:$0x4080] =	vst v63  }
0x141: {  	s29 =	sadd.s32 $0x90, s28;
	v25 =	vadd.s32 v3, v21  }
0x142: {  	[tilespmem:s29], [sflag:$0x1] =	stream.indirect_vreg.gather [hbm4b:s4+s2], $0x1, v23, vm0, $0xb8;
	[tilespmem:$0x4080] =	vst v63  }
0x143: {  	s30 =	sadd.s32 $0xA0, s28;
	v26 =	vadd.s32 v4, v21  }
0x144: {  	[tilespmem:s30], [sflag:$0x1] =	stream.indirect_vreg.gather [hbm4b:s4+s2], $0x1, v24, vm0, $0xb8;
	[tilespmem:$0x4080] =	vst v63  }
0x145: {  	s31 =	sadd.s32 $0xB0, s28;
	v27 =	vadd.s32 v15, v21  }
0x146: {  	v20 =	vshll.u32 v20, $0x2;
	[tilespmem:s31], [sflag:$0x1] =	stream.indirect_vreg.gather [hbm4b:s4+s2], $0x1, v25, vm0, $0xb8;
	[tilespmem:$0x4080] =	vst v63  }
0x147: {  	s3 =	sadd.s32 $0xC0, s28;
	v28 =	vadd.s32 v0, v20  }
0x148: {  	[tilespmem:s3], [sflag:$0x1] =	stream.indirect_vreg.gather [hbm4b:s4+s2], $0x1, v26, vm0, $0xb8;
	[tilespmem:$0x4080] =	vst v63  }
0x149: {  	v29 =	vadd.s32 v5, v21;
	s29 =	sadd.s32 $0xCB, s28  }
0x14a: {  	[tilespmem:s29], [sflag:$0x1] =	stream.indirect_vreg.gather [hbm4b:s4+s2], $0x1, v27, vm0, $0xb8;
	[tilespmem:$0x4080] =	vst v63  }
0x14b: {  	v30 =	vadd.s32 v6, v21;
	s30 =	sadd.s32 $0x2080, s28  }
0x14c: {  	[tilespmem:s30], [sflag:$0x1] =	stream.indirect_vreg.gather [hbm4b:s5+s2], $0x1, v28, vm0, $0xb8;
	[tilespmem:$0x4080] =	vst v63  }
0x14d: {  	v31 =	vadd.s32 v7, v21;
	s31 =	sadd.s32 $0x880, s28  }
0x14e: {  	[tilespmem:s31], [sflag:$0x1] =	stream.indirect_vreg.gather [hbm4b:s4+s2], $0x1, v29, vm0, $0xb8;
	[tilespmem:$0x4080] =	vst v63  }
0x14f: {  	v55 =	vadd.s32 v8, v21;
	s3 =	sadd.s32 $0x890, s28  }
0x150: {  	[tilespmem:s3], [sflag:$0x1] =	stream.indirect_vreg.gather [hbm4b:s4+s2], $0x1, v30, vm0, $0xb8;
	[tilespmem:$0x4080] =	vst v63  }
0x151: {  	v56 =	vadd.s32 v9, v21;
	s29 =	sadd.s32 $0x8A0, s28  }
0x152: {  	[tilespmem:s29], [sflag:$0x1] =	stream.indirect_vreg.gather [hbm4b:s4+s2], $0x1, v31, vm0, $0xb8;
	[tilespmem:$0x4080] =	vst v63  }
0x153: {  	v57 =	vadd.s32 v10, v21;
	s30 =	sadd.s32 $0x8B0, s28  }
0x154: {  	[tilespmem:s30], [sflag:$0x1] =	stream.indirect_vreg.gather [hbm4b:s4+s2], $0x1, v55, vm0, $0xb8;
	[tilespmem:$0x4080] =	vst v63  }
0x155: {  	v58 =	vadd.s32 v17, v20;
	s31 =	sadd.s32 $0x8C0, s28  }
0x156: {  	[tilespmem:s31], [sflag:$0x1] =	stream.indirect_vreg.gather [hbm4b:s4+s2], $0x1, v56, vm0, $0xb8;
	[tilespmem:$0x4080] =	vst v63  }
0x157: {  	v59 =	vadd.s32 v11, v21;
	s3 =	sadd.s32 $0x8CB, s28  }
0x158: {  	[tilespmem:s3], [sflag:$0x1] =	stream.indirect_vreg.gather [hbm4b:s4+s2], $0x1, v57, vm0, $0xb8;
	[tilespmem:$0x4080] =	vst v63  }
0x159: {  	v60 =	vadd.s32 v12, v21;
	s29 =	sadd.s32 $0x2880, s28  }
0x15a: {  	[tilespmem:s29], [sflag:$0x1] =	stream.indirect_vreg.gather [hbm4b:s5+s2], $0x1, v58, vm0, $0xb8;
	[tilespmem:$0x4080] =	vst v63  }
0x15b: {  	v61 =	vadd.s32 v13, v21;
	s30 =	sadd.s32 $0x1080, s28  }
0x15c: {  	[tilespmem:s30], [sflag:$0x1] =	stream.indirect_vreg.gather [hbm4b:s4+s2], $0x1, v59, vm0, $0xb8;
	[tilespmem:$0x4080] =	vst v63  }
0x15d: {  	v62 =	vadd.s32 v14, v21;
	s31 =	sadd.s32 $0x1090, s28  }
0x15e: {  	[tilespmem:s31], [sflag:$0x1] =	stream.indirect_vreg.gather [hbm4b:s4+s2], $0x1, v60, vm0, $0xb8;
	[tilespmem:$0x4080] =	vst v63  }
0x15f: {  	v63 =	vadd.s32 v16, v21;
	s3 =	sadd.s32 $0x10A0, s28  }
0x160: {  	[tilespmem:s3], [sflag:$0x1] =	stream.indirect_vreg.gather [hbm4b:s4+s2], $0x1, v61, vm0, $0xb8;
	[tilespmem:$0x4080] =	vst v63  }
0x161: {  	v21 =	vadd.s32 v18, v21;
	s29 =	sadd.s32 $0x10B0, s28  }
0x162: {  	[tilespmem:s29], [sflag:$0x1] =	stream.indirect_vreg.gather [hbm4b:s4+s2], $0x1, v62, vm0, $0xb8;
	[tilespmem:$0x4080] =	vst v63  }
0x163: {  	v20 =	vadd.s32 v19, v20;
	s30 =	sadd.s32 $0x10C0, s28  }
0x164: {  	[tilespmem:s30], [sflag:$0x1] =	stream.indirect_vreg.gather [hbm4b:s4+s2], $0x1, v63, vm0, $0xb8;
	[tilespmem:$0x4080] =	vst v63  }
0x165: {  	s31 =	sadd.s32 $0x10CB, s28  }
0x166: {  	[tilespmem:s31], [sflag:$0x1] =	stream.indirect_vreg.gather [hbm4b:s4+s2], $0x1, v21, vm0, $0xb8;
	[tilespmem:$0x4080] =	vst v63  }
0x167: {  	s3 =	sadd.s32 $0x3080, s28  }
0x168: {  	[tilespmem:s3], [sflag:$0x1] =	stream.indirect_vreg.gather [hbm4b:s5+s2], $0x1, v20, vm0, $0xb8;
	[tilespmem:$0x4080] =	vst v63  }
0x169: {  	s29 =	sadd.s32 $0x1880, s28  }
0x16a: {  	[tilespmem:s29], [sflag:$0x1] =	stream.indirect_vreg.gather [hbm4b:s1+s2], $0x1, v22, vm0, $0xb8;
	[tilespmem:$0x4080] =	vst v63  }
0x16b: {  	s30 =	sadd.s32 $0x1890, s28  }
0x16c: {  	[tilespmem:s30], [sflag:$0x1] =	stream.indirect_vreg.gather [hbm4b:s1+s2], $0x1, v23, vm0, $0xb8;
	[tilespmem:$0x4080] =	vst v63  }
0x16d: {  	s31 =	sadd.s32 $0x18A0, s28  }
0x16e: {  	[tilespmem:s31], [sflag:$0x1] =	stream.indirect_vreg.gather [hbm4b:s1+s2], $0x1, v24, vm0, $0xb8;
	[tilespmem:$0x4080] =	vst v63  }
0x16f: {  	s3 =	sadd.s32 $0x18B0, s28  }
0x170: {  	[tilespmem:s3], [sflag:$0x1] =	stream.indirect_vreg.gather [hbm4b:s1+s2], $0x1, v25, vm0, $0xb8;
	[tilespmem:$0x4080] =	vst v63  }
0x171: {  	s29 =	sadd.s32 $0x18C0, s28  }
0x172: {  	[tilespmem:s29], [sflag:$0x1] =	stream.indirect_vreg.gather [hbm4b:s1+s2], $0x1, v26, vm0, $0xb8;
	[tilespmem:$0x4080] =	vst v63  }
0x173: {  	s30 =	sadd.s32 $0x18CB, s28  }
0x174: {  	[tilespmem:s30], [sflag:$0x1] =	stream.indirect_vreg.gather [hbm4b:s1+s2], $0x1, v27, vm0, $0xb8;
	[tilespmem:$0x4080] =	vst v63  }
0x175: {  	s31 =	sadd.s32 $0x3880, s28;
	s3 =	rddreg [dreg:$0x4]  }
0x176: {  	[tilespmem:s31], [sflag:$0x1] =	stream.indirect_vreg.gather [hbm4b:s3+s2], $0x1, v28, vm0, $0xb8;
	[tilespmem:$0x4080] =	vst v63  }
0x177: {  	_ =	swait.ge [sflag:s17], $0x10  }
0x178: {  	[sflag:s17] =	ssyncset.done $0x0  }
0x179: {  	[sflag:s17] =	ssyncadd.s32 $0xFFFFFFF0  }
0x17a: {  	_ =	swait.ge [sflag:s17], $0x10  }
0x17b: {  	[sflag:s17] =	ssyncset.done $0x0  }
0x17c: {  	[sflag:s17] =	ssyncadd.s32 $0xFFFFFFF0  }
0x17d: {  	_ =	swait.ge [sflag:s17], $0x10  }
0x17e: {  	[sflag:s17] =	ssyncset.done $0x0  }
0x17f: {  	[sflag:s17] =	ssyncadd.s32 $0xFFFFFFF0  }
0x180: {  	_ =	swait.ge [sflag:s17], $0x10  }
0x181: {  	[sflag:s17] =	ssyncset.done $0x0  }
0x182: {  	[sflag:s17] =	ssyncadd.s32 $0xFFFFFFF0  }
0x183: {  	_ =	swait.ge [sflag:s17], $0x10  }
0x184: {  	[sflag:s17] =	ssyncset.done $0x0  }
0x185: {  	[sflag:s17] =	ssyncadd.s32 $0xFFFFFFF0  }
0x186: {  	_ =	swait.ge [sflag:s17], $0x10  }
0x187: {  	[sflag:s17] =	ssyncset.done $0x0  }
0x188: {  	[sflag:s17] =	ssyncadd.s32 $0xFFFFFFF0  }
0x189: {  	_ =	swait.ge [sflag:s17], $0x10  }
0x18a: {  	[sflag:s17] =	ssyncset.done $0x0  }
0x18b: {  	[sflag:s17] =	ssyncadd.s32 $0xFFFFFFF0  }
0x18c: {  	_ =	swait.ge [sflag:s17], $0x10  }
0x18d: {  	[sflag:s17] =	ssyncset.done $0x0  }
0x18e: {  	[sflag:s17] =	ssyncadd.s32 $0xFFFFFFF0  }
0x18f: {  	_ =	swait.ge [sflag:s17], $0x10  }
0x190: {  	[sflag:s17] =	ssyncset.done $0x0  }
0x191: {  	[sflag:s17] =	ssyncadd.s32 $0xFFFFFFF0  }
0x192: {  	_ =	swait.ge [sflag:s17], $0x10  }
0x193: {  	[sflag:s17] =	ssyncset.done $0x0  }
0x194: {  	[sflag:s17] =	ssyncadd.s32 $0xFFFFFFF0  }
0x195: {  	_ =	swait.ge [sflag:s17], $0x10  }
0x196: {  	[sflag:s17] =	ssyncset.done $0x0  }
0x197: {  	[sflag:s17] =	ssyncadd.s32 $0xFFFFFFF0  }
0x198: {  	_ =	swait.ge [sflag:s17], $0x10  }
0x199: {  	[sflag:s17] =	ssyncset.done $0x0  }
0x19a: {  	[sflag:s17] =	ssyncadd.s32 $0xFFFFFFF0  }
0x19b: {  	_ =	swait.ge [sflag:s17], $0x10  }
0x19c: {  	[sflag:s17] =	ssyncset.done $0x0  }
0x19d: {  	[sflag:s17] =	ssyncadd.s32 $0xFFFFFFF0  }
0x19e: {  	_ =	swait.ge [sflag:s17], $0x10  }
0x19f: {  	[sflag:s17] =	ssyncset.done $0x0  }
0x1a0: {  	[sflag:s17] =	ssyncadd.s32 $0xFFFFFFF0  }
0x1a1: {  	_ =	swait.ge [sflag:s17], $0x10  }
0x1a2: {  	[sflag:s17] =	ssyncset.done $0x0  }
0x1a3: {  	[sflag:s17] =	ssyncadd.s32 $0xFFFFFFF0  }
0x1a4: {  	_ =	swait.ge [sflag:s17], $0x10  }
0x1a5: {  	[sflag:s17] =	ssyncset.done $0x0  }
0x1a6: {  	[sflag:s17] =	ssyncadd.s32 $0xFFFFFFF0  }
0x1a7: {  	_ =	swait.ge [sflag:s17], $0x10  }
0x1a8: {  	[sflag:s17] =	ssyncset.done $0x0  }
0x1a9: {  	[sflag:s17] =	ssyncadd.s32 $0xFFFFFFF0  }
0x1aa: {  	_ =	swait.ge [sflag:s17], $0x10  }
0x1ab: {  	[sflag:s17] =	ssyncset.done $0x0  }
0x1ac: {  	[sflag:s17] =	ssyncadd.s32 $0xFFFFFFF0  }
0x1ad: {  	_ =	swait.ge [sflag:s17], $0x10  }
0x1ae: {  	[sflag:s17] =	ssyncset.done $0x0  }
0x1af: {  	[sflag:s17] =	ssyncadd.s32 $0xFFFFFFF0  }
0x1b0: {  	_ =	swait.ge [sflag:s17], $0x10  }
0x1b1: {  	[sflag:s17] =	ssyncset.done $0x0  }
0x1b2: {  	[sflag:s17] =	ssyncadd.s32 $0xFFFFFFF0  }
0x1b3: {  	_ =	swait.ge [sflag:s17], $0x10  }
0x1b4: {  	[sflag:s17] =	ssyncset.done $0x0  }
0x1b5: {  	[sflag:s17] =	ssyncadd.s32 $0xFFFFFFF0  }
0x1b6: {  	_ =	swait.ge [sflag:s17], $0x10  }
0x1b7: {  	[sflag:s17] =	ssyncset.done $0x0  }
0x1b8: {  	[sflag:s17] =	ssyncadd.s32 $0xFFFFFFF0  }
0x1b9: {  	_ =	swait.ge [sflag:s17], $0x10  }
0x1ba: {  	[sflag:s17] =	ssyncset.done $0x0  }
0x1bb: {  	[sflag:s17] =	ssyncadd.s32 $0xFFFFFFF0  }
0x1bc: {  	_ =	swait.ge [sflag:s17], $0x10  }
0x1bd: {  	[sflag:s17] =	ssyncset.done $0x0  }
0x1be: {  	[sflag:s17] =	ssyncadd.s32 $0xFFFFFFF0  }
0x1bf: {  	_ =	swait.ge [sflag:s17], $0x10  }
0x1c0: {  	[sflag:s17] =	ssyncset.done $0x0  }
0x1c1: {  	[sflag:s17] =	ssyncadd.s32 $0xFFFFFFF0  }
0x1c2: {  	_ =	swait.ge [sflag:s17], $0x10  }
0x1c3: {  	[sflag:s17] =	ssyncset.done $0x0  }
0x1c4: {  	[sflag:s17] =	ssyncadd.s32 $0xFFFFFFF0  }
0x1c5: {  	_ =	swait.ge [sflag:s17], $0x10  }
0x1c6: {  	[sflag:s17] =	ssyncset.done $0x0  }
0x1c7: {  	[sflag:s17] =	ssyncadd.s32 $0xFFFFFFF0  }
0x1c8: {  	_ =	swait.ge [sflag:s17], $0x10  }
0x1c9: {  	[sflag:s17] =	ssyncset.done $0x0  }
0x1ca: {  	[sflag:s17] =	ssyncadd.s32 $0xFFFFFFF0  }
0x1cb: {  	[hbm4b:s7+s2] =	stream.linear.scatter [tilespmem:s18], [sflag:$0x2], $0x800, $0x38;
	[tilespmem:$0x4080] =	vst v63  }
0x1cc: {  	_ =	swait.ge [sflag:s16], $0x800  }
0x1cd: {  	[sflag:s16] =	ssyncset.done $0x0  }
0x1ce: {  	[sflag:s16] =	ssyncadd.s32 $0xFFFFF800  }
0x1cf: {  	[hbm4b:s9+s2] =	stream.linear.scatter [tilespmem:s19], [sflag:$0x2], $0x800, $0x38;
	[tilespmem:$0x4080] =	vst v63  }
0x1d0: {  	_ =	swait.ge [sflag:s16], $0x800  }
0x1d1: {  	[sflag:s16] =	ssyncset.done $0x0  }
0x1d2: {  	[sflag:s16] =	ssyncadd.s32 $0xFFFFF800  }
0x1d3: {  	[hbm4b:s10+s2] =	stream.linear.scatter [tilespmem:s20], [sflag:$0x2], $0x800, $0x38;
	[tilespmem:$0x4080] =	vst v63  }
0x1d4: {  	_ =	swait.ge [sflag:s16], $0x800  }
0x1d5: {  	[sflag:s16] =	ssyncset.done $0x0  }
0x1d6: {  	[sflag:s16] =	ssyncadd.s32 $0xFFFFF800  }
0x1d7: {  	[hbm4b:s12+s2] =	stream.linear.scatter [tilespmem:s21], [sflag:$0x2], $0x800, $0x38;
	[tilespmem:$0x4080] =	vst v63  }
0x1d8: {  	_ =	swait.ge [sflag:s16], $0x800  }
0x1d9: {  	[sflag:s16] =	ssyncset.done $0x0  }
0x1da: {  	[sflag:s16] =	ssyncadd.s32 $0xFFFFF800  }
0x1db: {  	[hbm4b:s13+s2] =	stream.linear.scatter [tilespmem:s22], [sflag:$0x2], $0x800, $0x38;
	[tilespmem:$0x4080] =	vst v63  }
0x1dc: {  	_ =	swait.ge [sflag:s16], $0x800  }
0x1dd: {  	[sflag:s16] =	ssyncset.done $0x0  }
0x1de: {  	[sflag:s16] =	ssyncadd.s32 $0xFFFFF800  }
0x1df: {  	[hbm4b:s14+s2] =	stream.linear.scatter [tilespmem:s23], [sflag:$0x2], $0x800, $0x38;
	[tilespmem:$0x4080] =	vst v63  }
0x1e0: {  	_ =	swait.ge [sflag:s16], $0x800  }
0x1e1: {  	[sflag:s16] =	ssyncset.done $0x0  }
0x1e2: {  	[sflag:s16] =	ssyncadd.s32 $0xFFFFF800  }
0x1e3: {  	[hbm4b:s8+s2] =	stream.linear.scatter [tilespmem:s24], [sflag:$0x2], $0x800, $0x38;
	[tilespmem:$0x4080] =	vst v63  }
0x1e4: {  	s26 =	sadd.s32 $0x1, s26;
	_ =	swait.ge [sflag:s16], $0x800  }
0x1e5: {  	p0 =	sne.s32 s26, s15;
	[sflag:s16] =	ssyncset.done $0x0  }
.Ltmp1:
0x1e6: {  	[sflag:s16] =	ssyncadd.s32 $0xFFFFF800;
	(pc) =	sbr.rel @p0 .LBB2_1-.Ltmp1, $4  }
0x1e7: {  	[hbm4b:s11+s2] =	stream.linear.scatter [tilespmem:s25], [sflag:$0x2], $0x800, $0x38;
	[tilespmem:$0x4080] =	vst v63  }
0x1e8: {  	_ =	swait.ge [sflag:s16], $0x800  }
0x1e9: {  	[sflag:s16] =	ssyncset.done $0x0  }
0x1ea: {  	[sflag:s16] =	ssyncadd.s32 $0xFFFFF800  }
0x1eb: {  	_ =	sfence.sel $0x180000  }
0x1ec: {  	[bflag:$0x0] =	sbarrier.arrive $0xFFFF  }
0x1ed: {  	_ =	strace $0x90000047  }
0x1ee: {  	s0 =	stileid.u32;
	[bflag:$0x2] =	sbarrier.arrive $0xFFFF  }
0x1ef: {  	p0 =	sne.s32 s0, $0x0;
	s0 =	rddreg [dreg:$0x3]  }
0x1f0: {  	s0 =	sadd.s32 @!p0 $0x100000, s0  }
0x1f1: {  	[sflag:s0] =	ssyncadd.tile.s32 @!p0 $0x1;
	_ =	shalt  }
.Lfunc_end2:
_tile_overlayer_lowered:
.L_overlay_start_2:
0x1f2: {  	(tag) =	ssettag $0x2  }
0x1f3: {  	s0 =	rddreg [dreg:$0x0];
	s2 =	stileid.u32  }
0x1f4: {  	s1 =	rddreg [dreg:$0x1];
	p0 =	sne.s32 s2, $0x0  }
0x1f5: {  	s3 =	rddreg [dreg:$0x2];
	[bflag:$0x3] =	sbarrier.arrive $0xFFFF;
	s2 =	simm.s32 @!p0 $0x1C02  }
0x1f6: {  	[timem:s3], [sflag:s2] =	dma.local @!p0 [hbm:s0], s1  }
0x1f7: {  	s0 =	simm.s32 @!p0 $0x2  }
0x1f8: {  	_ =	swait.ge @!p0 [sflag:s0], s1  }
0x1f9: {  	s1 =	ssub.s32 @!p0 $0x0, s1;
	[sflag:s0] =	ssyncset.done @!p0 $0x0  }
0x1fa: {  	[sflag:s0] =	ssyncadd.s32 @!p0 s1  }
0x1fb: {  	[bflag:$0x3] =	sbarrier.arrive $0xFFFF  }
0x1fc: {  	_ =	shalt  }

</sc_bundles>
